<compile_context>
chip_gen: v7x
topology: tpu7x:2x2x1
jax: 0.10.2.dev20260603
libtpu: 0.0.44.dev20260713+nightly
codegen_flags: <defaults>
</compile_context>

<pallas_src>
import functools

import jax
import jax.numpy as jnp
from jax import lax
from jax.experimental import pallas as pl
from jax.experimental.pallas import tpu as pltpu
from jax.experimental.pallas import tpu_sc as plsc

B_ROWS = 4
B_COLS = 8192
D_MODEL = 512
NUM_WORKERS = 32
BPW = B_ROWS * B_COLS // NUM_WORKERS
TPR = B_COLS // BPW
CHUNKS = [80] * 12 + [64]
OFFS = [sum(CHUNKS[:i]) for i in range(len(CHUNKS))]
NCHUNKS = len(CHUNKS)
CHUNK_MAX = 80
NBUF = 3

_mesh = plsc.VectorSubcoreMesh(core_axis_name="c", subcore_axis_name="s")


@functools.partial(
    pl.kernel,
    mesh=_mesh,
    out_type=jax.ShapeDtypeStruct((B_ROWS, B_COLS, D_MODEL), jnp.float32),
    scratch_types=[
        pltpu.VMEM((BPW,), jnp.int32),
        *[pltpu.VMEM((CHUNK_MAX, D_MODEL), jnp.float32) for _ in range(NBUF)],
        *[pltpu.SemaphoreType.DMA for _ in range(2 * NBUF)],
    ],
)
def _embed_gather(idx_hbm, table_hbm, out_hbm, idx_v, *bufs_and_sems):
    bufs = bufs_and_sems[:NBUF]
    gsems = bufs_and_sems[NBUF:2 * NBUF]
    wsems = bufs_and_sems[2 * NBUF:]
    wid = lax.axis_index("s") * 2 + lax.axis_index("c")
    row = wid // TPR
    col0 = (wid % TPR) * BPW
    pltpu.sync_copy(idx_hbm.at[row, pl.ds(col0, BPW)], idx_v)

    def start_gather(c):
        b = c % NBUF
        n = CHUNKS[c]
        idx_slice = idx_v.at[pl.ds(OFFS[c], n)]
        return pltpu.async_copy(table_hbm.at[idx_slice],
                                bufs[b].at[pl.ds(0, n)], gsems[b])

    def start_write(c):
        b = c % NBUF
        n = CHUNKS[c]
        dst = out_hbm.at[row, pl.ds(col0 + OFFS[c], n)]
        return pltpu.async_copy(bufs[b].at[pl.ds(0, n)], dst, wsems[b])

    gathers = [None] * NCHUNKS
    writes = [None] * NCHUNKS
    for c in range(NBUF - 1):
        gathers[c] = start_gather(c)
    for c in range(NCHUNKS):
        if c > 0:
            writes[c - 1].wait()
        g = c + NBUF - 1
        if g < NCHUNKS:
            gathers[g] = start_gather(g)
        gathers[c].wait()
        writes[c] = start_write(c)
    writes[NCHUNKS - 1].wait()


def kernel(x, table):
    return _embed_gather(x.astype(jnp.int32), table)

# --- scband reference (transcript-rebuilt; emitter-appended) ---
"""Pipeline reference for scband-embed-58205396795874 (READ-ONLY COPY).

The authoritative reference and input builder live on the scoring server;
editing this copy changes nothing except your own understanding.
"""

import jax, jax.numpy as jnp
import numpy as np

VOCAB = 50258
D_MODEL = 512
PAD_IDX = 50257

def setup_inputs(seed: int = 0) -> dict:
    key = jax.random.key(seed)
    k1, k2 = jax.random.split(key)
    x = jax.random.randint(k1, (4, 8192), 0, VOCAB, dtype=jnp.int64 if jax.config.jax_enable_x64 else jnp.int32)
    table = jax.random.normal(k2, (VOCAB, D_MODEL), dtype=jnp.float32)
    # torch.nn.Embedding zeros the padding_idx row at init
    table = table.at[PAD_IDX].set(0.0)
    return {"x": x, "table": table}

def reference(x, table):
    # Faithful to torch.nn.Embedding(padding_idx=50257): padding row is zero,
    # forward is a plain row-gather from the table.
    table = table.at[PAD_IDX].set(0.0)
    out = jnp.take(table, x, axis=0)
    return out

if __name__ == "__main__":
    import jax
    _d = setup_inputs()
    print(jax.jit(kernel)(*tuple(_d.values())))

</pallas_src>

<mosaic_0001>
#map = affine_map<(d0, d1) -> (0, 0)>
#map1 = affine_map<(d0, d1) -> (0, 0, 0)>
module attributes {stable_mosaic.version = 14 : i64} {
  func.func @_embed_gather(%arg0: i32, %arg1: i32, %arg2: memref<4x8192xi32, #tpu.memory_space<hbm>>, %arg3: memref<50258x512xf32, #tpu.memory_space<hbm>>, %arg4: memref<4x8192x512xf32, #tpu.memory_space<hbm>>, %arg5: memref<1024xi32, #tpu.memory_space<vmem>>, %arg6: memref<80x512xf32, #tpu.memory_space<vmem>>, %arg7: memref<80x512xf32, #tpu.memory_space<vmem>>, %arg8: memref<80x512xf32, #tpu.memory_space<vmem>>, %arg9: memref<!tpu.dma_semaphore, #tpu.memory_space<semaphore_mem>>, %arg10: memref<!tpu.dma_semaphore, #tpu.memory_space<semaphore_mem>>, %arg11: memref<!tpu.dma_semaphore, #tpu.memory_space<semaphore_mem>>, %arg12: memref<!tpu.dma_semaphore, #tpu.memory_space<semaphore_mem>>, %arg13: memref<!tpu.dma_semaphore, #tpu.memory_space<semaphore_mem>>, %arg14: memref<!tpu.dma_semaphore, #tpu.memory_space<semaphore_mem>>) attributes {dimension_semantics = [#tpu.dimension_semantics<core_parallel>, #tpu.dimension_semantics<subcore_parallel>], iteration_bounds = array<i64: 2, 16>, scalar_prefetch = 0 : i64, scratch_operands = 10 : i64, tpu.core_type = #tpu.core_type<sc_vector_subcore>, window_params = [{transform_indices = #map}, {transform_indices = #map}, {transform_indices = #map1}]} {
    %mul3A = arith.constant 2 : i32
    %mul3A_0 = arith.muli %arg1, %mul3A : i32
    %add3A = arith.addi %mul3A_0, %arg0 : i32
    %jit3A = arith.constant 8 : i32
    %div3A = arith.divsi %add3A, %jit3A : i32
    %sign3A = arith.constant 0 : i32
    %sign3A_1 = arith.cmpi sgt, %add3A, %sign3A : i32
    %sign3A_2 = arith.extui %sign3A_1 : i1 to i32
    %sign3A_3 = arith.constant 0 : i32
    %sign3A_4 = arith.cmpi slt, %add3A, %sign3A_3 : i32
    %sign3A_5 = arith.extui %sign3A_4 : i1 to i32
    %sign3A_6 = arith.subi %sign3A_2, %sign3A_5 : i32
    %sign3A_7 = arith.constant 0 : i32
    %sign3A_8 = arith.cmpi sgt, %jit3A, %sign3A_7 : i32
    %sign3A_9 = arith.extui %sign3A_8 : i1 to i32
    %sign3A_10 = arith.constant 0 : i32
    %sign3A_11 = arith.cmpi slt, %jit3A, %sign3A_10 : i32
    %sign3A_12 = arith.extui %sign3A_11 : i1 to i32
    %sign3A_13 = arith.subi %sign3A_9, %sign3A_12 : i32
    %ne3A = arith.cmpi ne, %sign3A_6, %sign3A_13 : i32
    %rem3A = arith.remsi %add3A, %jit3A : i32
    %ne3A_14 = arith.constant 0 : i32
    %ne3A_15 = arith.cmpi ne, %rem3A, %ne3A_14 : i32
    %and3A = arith.andi %ne3A, %ne3A_15 : i1
    %sub3A = arith.constant 1 : i32
    %sub3A_16 = arith.subi %div3A, %sub3A : i32
    %select_n3A = arith.select %and3A, %sub3A_16, %div3A : i32
    %jit3A_17 = arith.constant 8 : i32
    %eq3A = arith.constant 0 : i32
    %eq3A_18 = arith.cmpi eq, %jit3A_17, %eq3A : i32
    %jit3A_19 = arith.constant 1 : i32
    %select_n3A_20 = arith.select %eq3A_18, %jit3A_19, %jit3A_17 : i32
    %rem3A_21 = arith.remsi %add3A, %select_n3A_20 : i32
    %ne3A_22 = arith.constant 0 : i32
    %ne3A_23 = arith.cmpi ne, %rem3A_21, %ne3A_22 : i32
    %lt3A = arith.constant 0 : i32
    %lt3A_24 = arith.cmpi slt, %rem3A_21, %lt3A : i32
    %lt3A_25 = arith.constant 0 : i32
    %lt3A_26 = arith.cmpi slt, %select_n3A_20, %lt3A_25 : i32
    %ne3A_27 = arith.xori %lt3A_24, %lt3A_26 : i1
    %and3A_28 = arith.andi %ne3A_27, %ne3A_23 : i1
    %add3A_29 = arith.addi %rem3A_21, %select_n3A_20 : i32
    %select_n3A_30 = arith.select %and3A_28, %add3A_29, %rem3A_21 : i32
    %mul3A_31 = arith.constant 1024 : i32
    %mul3A_32 = arith.muli %select_n3A_30, %mul3A_31 : i32
    "tpu.region"() ({
      %run_scoped3A = tpu.sem_alloc : memref<!tpu.dma_semaphore, #tpu.memory_space<semaphore_mem>>
      %dma_start3A_577 = tpu.memref_slice %arg2[%select_n3A, %mul3A_32] : memref<4x8192xi32, #tpu.memory_space<hbm>> -> memref<1x1024xi32, #tpu.memory_space<hbm>>
      %dma_start3A_578 = tpu.memref_squeeze %dma_start3A_577 : memref<1x1024xi32, #tpu.memory_space<hbm>> -> memref<1024xi32, #tpu.memory_space<hbm>>
      %dma_start3A_579 = tpu.memref_slice %arg2[%select_n3A, %mul3A_32] : memref<4x8192xi32, #tpu.memory_space<hbm>> -> memref<1x1024xi32, #tpu.memory_space<hbm>>
      %dma_start3A_580 = tpu.memref_squeeze %dma_start3A_579 : memref<1x1024xi32, #tpu.memory_space<hbm>> -> memref<1024xi32, #tpu.memory_space<hbm>>
      tpu.enqueue_dma source(%dma_start3A_580 : memref<1024xi32, #tpu.memory_space<hbm>>) target(%arg5 : memref<1024xi32, #tpu.memory_space<vmem>>) target_semaphore(%run_scoped3A : memref<!tpu.dma_semaphore, #tpu.memory_space<semaphore_mem>>)
      %dma_wait3A_581 = tpu.memref_slice %arg2[%select_n3A, %mul3A_32] : memref<4x8192xi32, #tpu.memory_space<hbm>> -> memref<1x1024xi32, #tpu.memory_space<hbm>>
      %dma_wait3A_582 = tpu.memref_squeeze %dma_wait3A_581 : memref<1x1024xi32, #tpu.memory_space<hbm>> -> memref<1024xi32, #tpu.memory_space<hbm>>
      %dma_wait3A_583 = tpu.memref_slice %arg2[%select_n3A, %mul3A_32] : memref<4x8192xi32, #tpu.memory_space<hbm>> -> memref<1x1024xi32, #tpu.memory_space<hbm>>
      %dma_wait3A_584 = tpu.memref_squeeze %dma_wait3A_583 : memref<1x1024xi32, #tpu.memory_space<hbm>> -> memref<1024xi32, #tpu.memory_space<hbm>>
      tpu.wait_dma2 semaphore(%run_scoped3A : memref<!tpu.dma_semaphore, #tpu.memory_space<semaphore_mem>>) src(%dma_wait3A_584 : memref<1024xi32, #tpu.memory_space<hbm>>) dst(%arg5 : memref<1024xi32, #tpu.memory_space<vmem>>)
      tpu.yield
    }) : () -> ()
    %dma_start3A = arith.constant 0 : i32
    %dma_start3A_33 = arith.constant 0 : i32
    %dma_start3A_34 = tpu.memref_slice %arg6[%dma_start3A, %dma_start3A_33] : memref<80x512xf32, #tpu.memory_space<vmem>> -> memref<80x512xf32, #tpu.memory_space<vmem>>
    %dma_start3A_35 = arith.constant 0 : i32
    %dma_start3A_36 = tpu.memref_slice %arg5[%dma_start3A_35] : memref<1024xi32, #tpu.memory_space<vmem>> -> memref<80xi32, #tpu.memory_space<vmem>>
    %dma_start3A_37 = arith.constant 0 : i32
    %dma_start3A_38 = arith.constant 0 : i32
    %dma_start3A_39 = tpu.memref_slice %arg3[%dma_start3A_37, %dma_start3A_38] : memref<50258x512xf32, #tpu.memory_space<hbm>> -> memref<50258x512xf32, #tpu.memory_space<hbm>>
    tpu.enqueue_indirect_dma source(%dma_start3A_39 : memref<50258x512xf32, #tpu.memory_space<hbm>>) target(%dma_start3A_34 : memref<80x512xf32, #tpu.memory_space<vmem>>) offsets(%dma_start3A_36 : memref<80xi32, #tpu.memory_space<vmem>>) semaphore(%arg9 : memref<!tpu.dma_semaphore, #tpu.memory_space<semaphore_mem>>)
    %dma_start3A_40 = arith.constant 0 : i32
    %dma_start3A_41 = arith.constant 0 : i32
    %dma_start3A_42 = tpu.memref_slice %arg7[%dma_start3A_40, %dma_start3A_41] : memref<80x512xf32, #tpu.memory_space<vmem>> -> memref<80x512xf32, #tpu.memory_space<vmem>>
    %dma_start3A_43 = arith.constant 80 : i32
    %dma_start3A_44 = tpu.memref_slice %arg5[%dma_start3A_43] : memref<1024xi32, #tpu.memory_space<vmem>> -> memref<80xi32, #tpu.memory_space<vmem>>
    %dma_start3A_45 = arith.constant 0 : i32
    %dma_start3A_46 = arith.constant 0 : i32
    %dma_start3A_47 = tpu.memref_slice %arg3[%dma_start3A_45, %dma_start3A_46] : memref<50258x512xf32, #tpu.memory_space<hbm>> -> memref<50258x512xf32, #tpu.memory_space<hbm>>
    tpu.enqueue_indirect_dma source(%dma_start3A_47 : memref<50258x512xf32, #tpu.memory_space<hbm>>) target(%dma_start3A_42 : memref<80x512xf32, #tpu.memory_space<vmem>>) offsets(%dma_start3A_44 : memref<80xi32, #tpu.memory_space<vmem>>) semaphore(%arg10 : memref<!tpu.dma_semaphore, #tpu.memory_space<semaphore_mem>>)
    %dma_start3A_48 = arith.constant 0 : i32
    %dma_start3A_49 = arith.constant 0 : i32
    %dma_start3A_50 = tpu.memref_slice %arg8[%dma_start3A_48, %dma_start3A_49] : memref<80x512xf32, #tpu.memory_space<vmem>> -> memref<80x512xf32, #tpu.memory_space<vmem>>
    %dma_start3A_51 = arith.constant 160 : i32
    %dma_start3A_52 = tpu.memref_slice %arg5[%dma_start3A_51] : memref<1024xi32, #tpu.memory_space<vmem>> -> memref<80xi32, #tpu.memory_space<vmem>>
    %dma_start3A_53 = arith.constant 0 : i32
    %dma_start3A_54 = arith.constant 0 : i32
    %dma_start3A_55 = tpu.memref_slice %arg3[%dma_start3A_53, %dma_start3A_54] : memref<50258x512xf32, #tpu.memory_space<hbm>> -> memref<50258x512xf32, #tpu.memory_space<hbm>>
    tpu.enqueue_indirect_dma source(%dma_start3A_55 : memref<50258x512xf32, #tpu.memory_space<hbm>>) target(%dma_start3A_50 : memref<80x512xf32, #tpu.memory_space<vmem>>) offsets(%dma_start3A_52 : memref<80xi32, #tpu.memory_space<vmem>>) semaphore(%arg11 : memref<!tpu.dma_semaphore, #tpu.memory_space<semaphore_mem>>)
    %dma_wait3A = arith.constant 0 : i32
    %dma_wait3A_56 = arith.constant 0 : i32
    %dma_wait3A_57 = tpu.memref_slice %arg6[%dma_wait3A, %dma_wait3A_56] : memref<80x512xf32, #tpu.memory_space<vmem>> -> memref<80x512xf32, #tpu.memory_space<vmem>>
    %dma_wait3A_58 = arith.constant 0 : i32
    %dma_wait3A_59 = tpu.memref_slice %arg5[%dma_wait3A_58] : memref<1024xi32, #tpu.memory_space<vmem>> -> memref<80xi32, #tpu.memory_space<vmem>>
    %dma_wait3A_60 = arith.constant 0 : i32
    %dma_wait3A_61 = arith.constant 0 : i32
    %dma_wait3A_62 = tpu.memref_slice %arg3[%dma_wait3A_60, %dma_wait3A_61] : memref<50258x512xf32, #tpu.memory_space<hbm>> -> memref<50258x512xf32, #tpu.memory_space<hbm>>
    tpu.wait_indirect_dma semaphore(%arg9 : memref<!tpu.dma_semaphore, #tpu.memory_space<semaphore_mem>>) src(%dma_wait3A_62 : memref<50258x512xf32, #tpu.memory_space<hbm>>) dst(%dma_wait3A_57 : memref<80x512xf32, #tpu.memory_space<vmem>>)
    %add3A_63 = arith.constant 0 : i32
    %add3A_64 = arith.addi %mul3A_32, %add3A_63 : i32
    %dma_start3A_65 = arith.constant 0 : i32
    %dma_start3A_66 = arith.constant 0 : i32
    %dma_start3A_67 = tpu.memref_slice %arg6[%dma_start3A_65, %dma_start3A_66] : memref<80x512xf32, #tpu.memory_space<vmem>> -> memref<80x512xf32, #tpu.memory_space<vmem>>
    %dma_start3A_68 = arith.constant 0 : i32
    %dma_start3A_69 = tpu.memref_slice %arg4[%select_n3A, %add3A_64, %dma_start3A_68] : memref<4x8192x512xf32, #tpu.memory_space<hbm>> -> memref<1x80x512xf32, #tpu.memory_space<hbm>>
    %dma_start3A_70 = tpu.memref_squeeze %dma_start3A_69 : memref<1x80x512xf32, #tpu.memory_space<hbm>> -> memref<80x512xf32, #tpu.memory_space<hbm>>
    %dma_start3A_71 = arith.constant 0 : i32
    %dma_start3A_72 = tpu.memref_slice %arg4[%select_n3A, %add3A_64, %dma_start3A_71] : memref<4x8192x512xf32, #tpu.memory_space<hbm>> -> memref<1x80x512xf32, #tpu.memory_space<hbm>>
    %dma_start3A_73 = tpu.memref_squeeze %dma_start3A_72 : memref<1x80x512xf32, #tpu.memory_space<hbm>> -> memref<80x512xf32, #tpu.memory_space<hbm>>
    %dma_start3A_74 = arith.constant 0 : i32
    %dma_start3A_75 = arith.constant 0 : i32
    %dma_start3A_76 = tpu.memref_slice %arg6[%dma_start3A_74, %dma_start3A_75] : memref<80x512xf32, #tpu.memory_space<vmem>> -> memref<80x512xf32, #tpu.memory_space<vmem>>
    tpu.enqueue_dma source(%dma_start3A_76 : memref<80x512xf32, #tpu.memory_space<vmem>>) target(%dma_start3A_73 : memref<80x512xf32, #tpu.memory_space<hbm>>) target_semaphore(%arg12 : memref<!tpu.dma_semaphore, #tpu.memory_space<semaphore_mem>>)
    %dma_wait3A_77 = arith.constant 0 : i32
    %dma_wait3A_78 = arith.constant 0 : i32
    %dma_wait3A_79 = tpu.memref_slice %arg6[%dma_wait3A_77, %dma_wait3A_78] : memref<80x512xf32, #tpu.memory_space<vmem>> -> memref<80x512xf32, #tpu.memory_space<vmem>>
    %dma_wait3A_80 = arith.constant 0 : i32
    %dma_wait3A_81 = tpu.memref_slice %arg4[%select_n3A, %add3A_64, %dma_wait3A_80] : memref<4x8192x512xf32, #tpu.memory_space<hbm>> -> memref<1x80x512xf32, #tpu.memory_space<hbm>>
    %dma_wait3A_82 = tpu.memref_squeeze %dma_wait3A_81 : memref<1x80x512xf32, #tpu.memory_space<hbm>> -> memref<80x512xf32, #tpu.memory_space<hbm>>
    %dma_wait3A_83 = arith.constant 0 : i32
    %dma_wait3A_84 = tpu.memref_slice %arg4[%select_n3A, %add3A_64, %dma_wait3A_83] : memref<4x8192x512xf32, #tpu.memory_space<hbm>> -> memref<1x80x512xf32, #tpu.memory_space<hbm>>
    %dma_wait3A_85 = tpu.memref_squeeze %dma_wait3A_84 : memref<1x80x512xf32, #tpu.memory_space<hbm>> -> memref<80x512xf32, #tpu.memory_space<hbm>>
    %dma_wait3A_86 = arith.constant 0 : i32
    %dma_wait3A_87 = arith.constant 0 : i32
    %dma_wait3A_88 = tpu.memref_slice %arg6[%dma_wait3A_86, %dma_wait3A_87] : memref<80x512xf32, #tpu.memory_space<vmem>> -> memref<80x512xf32, #tpu.memory_space<vmem>>
    tpu.wait_dma2 semaphore(%arg12 : memref<!tpu.dma_semaphore, #tpu.memory_space<semaphore_mem>>) src(%dma_wait3A_88 : memref<80x512xf32, #tpu.memory_space<vmem>>) dst(%dma_wait3A_85 : memref<80x512xf32, #tpu.memory_space<hbm>>)
    %dma_start3A_89 = arith.constant 0 : i32
    %dma_start3A_90 = arith.constant 0 : i32
    %dma_start3A_91 = tpu.memref_slice %arg6[%dma_start3A_89, %dma_start3A_90] : memref<80x512xf32, #tpu.memory_space<vmem>> -> memref<80x512xf32, #tpu.memory_space<vmem>>
    %dma_start3A_92 = arith.constant 240 : i32
    %dma_start3A_93 = tpu.memref_slice %arg5[%dma_start3A_92] : memref<1024xi32, #tpu.memory_space<vmem>> -> memref<80xi32, #tpu.memory_space<vmem>>
    %dma_start3A_94 = arith.constant 0 : i32
    %dma_start3A_95 = arith.constant 0 : i32
    %dma_start3A_96 = tpu.memref_slice %arg3[%dma_start3A_94, %dma_start3A_95] : memref<50258x512xf32, #tpu.memory_space<hbm>> -> memref<50258x512xf32, #tpu.memory_space<hbm>>
    tpu.enqueue_indirect_dma source(%dma_start3A_96 : memref<50258x512xf32, #tpu.memory_space<hbm>>) target(%dma_start3A_91 : memref<80x512xf32, #tpu.memory_space<vmem>>) offsets(%dma_start3A_93 : memref<80xi32, #tpu.memory_space<vmem>>) semaphore(%arg9 : memref<!tpu.dma_semaphore, #tpu.memory_space<semaphore_mem>>)
    %dma_wait3A_97 = arith.constant 0 : i32
    %dma_wait3A_98 = arith.constant 0 : i32
    %dma_wait3A_99 = tpu.memref_slice %arg7[%dma_wait3A_97, %dma_wait3A_98] : memref<80x512xf32, #tpu.memory_space<vmem>> -> memref<80x512xf32, #tpu.memory_space<vmem>>
    %dma_wait3A_100 = arith.constant 80 : i32
    %dma_wait3A_101 = tpu.memref_slice %arg5[%dma_wait3A_100] : memref<1024xi32, #tpu.memory_space<vmem>> -> memref<80xi32, #tpu.memory_space<vmem>>
    %dma_wait3A_102 = arith.constant 0 : i32
    %dma_wait3A_103 = arith.constant 0 : i32
    %dma_wait3A_104 = tpu.memref_slice %arg3[%dma_wait3A_102, %dma_wait3A_103] : memref<50258x512xf32, #tpu.memory_space<hbm>> -> memref<50258x512xf32, #tpu.memory_space<hbm>>
    tpu.wait_indirect_dma semaphore(%arg10 : memref<!tpu.dma_semaphore, #tpu.memory_space<semaphore_mem>>) src(%dma_wait3A_104 : memref<50258x512xf32, #tpu.memory_space<hbm>>) dst(%dma_wait3A_99 : memref<80x512xf32, #tpu.memory_space<vmem>>)
    %add3A_105 = arith.constant 80 : i32
    %add3A_106 = arith.addi %mul3A_32, %add3A_105 : i32
    %dma_start3A_107 = arith.constant 0 : i32
    %dma_start3A_108 = arith.constant 0 : i32
    %dma_start3A_109 = tpu.memref_slice %arg7[%dma_start3A_107, %dma_start3A_108] : memref<80x512xf32, #tpu.memory_space<vmem>> -> memref<80x512xf32, #tpu.memory_space<vmem>>
    %dma_start3A_110 = arith.constant 0 : i32
    %dma_start3A_111 = tpu.memref_slice %arg4[%select_n3A, %add3A_106, %dma_start3A_110] : memref<4x8192x512xf32, #tpu.memory_space<hbm>> -> memref<1x80x512xf32, #tpu.memory_space<hbm>>
    %dma_start3A_112 = tpu.memref_squeeze %dma_start3A_111 : memref<1x80x512xf32, #tpu.memory_space<hbm>> -> memref<80x512xf32, #tpu.memory_space<hbm>>
    %dma_start3A_113 = arith.constant 0 : i32
    %dma_start3A_114 = tpu.memref_slice %arg4[%select_n3A, %add3A_106, %dma_start3A_113] : memref<4x8192x512xf32, #tpu.memory_space<hbm>> -> memref<1x80x512xf32, #tpu.memory_space<hbm>>
    %dma_start3A_115 = tpu.memref_squeeze %dma_start3A_114 : memref<1x80x512xf32, #tpu.memory_space<hbm>> -> memref<80x512xf32, #tpu.memory_space<hbm>>
    %dma_start3A_116 = arith.constant 0 : i32
    %dma_start3A_117 = arith.constant 0 : i32
    %dma_start3A_118 = tpu.memref_slice %arg7[%dma_start3A_116, %dma_start3A_117] : memref<80x512xf32, #tpu.memory_space<vmem>> -> memref<80x512xf32, #tpu.memory_space<vmem>>
    tpu.enqueue_dma source(%dma_start3A_118 : memref<80x512xf32, #tpu.memory_space<vmem>>) target(%dma_start3A_115 : memref<80x512xf32, #tpu.memory_space<hbm>>) target_semaphore(%arg13 : memref<!tpu.dma_semaphore, #tpu.memory_space<semaphore_mem>>)
    %dma_wait3A_119 = arith.constant 0 : i32
    %dma_wait3A_120 = arith.constant 0 : i32
    %dma_wait3A_121 = tpu.memref_slice %arg7[%dma_wait3A_119, %dma_wait3A_120] : memref<80x512xf32, #tpu.memory_space<vmem>> -> memref<80x512xf32, #tpu.memory_space<vmem>>
    %dma_wait3A_122 = arith.constant 0 : i32
    %dma_wait3A_123 = tpu.memref_slice %arg4[%select_n3A, %add3A_106, %dma_wait3A_122] : memref<4x8192x512xf32, #tpu.memory_space<hbm>> -> memref<1x80x512xf32, #tpu.memory_space<hbm>>
    %dma_wait3A_124 = tpu.memref_squeeze %dma_wait3A_123 : memref<1x80x512xf32, #tpu.memory_space<hbm>> -> memref<80x512xf32, #tpu.memory_space<hbm>>
    %dma_wait3A_125 = arith.constant 0 : i32
    %dma_wait3A_126 = tpu.memref_slice %arg4[%select_n3A, %add3A_106, %dma_wait3A_125] : memref<4x8192x512xf32, #tpu.memory_space<hbm>> -> memref<1x80x512xf32, #tpu.memory_space<hbm>>
    %dma_wait3A_127 = tpu.memref_squeeze %dma_wait3A_126 : memref<1x80x512xf32, #tpu.memory_space<hbm>> -> memref<80x512xf32, #tpu.memory_space<hbm>>
    %dma_wait3A_128 = arith.constant 0 : i32
    %dma_wait3A_129 = arith.constant 0 : i32
    %dma_wait3A_130 = tpu.memref_slice %arg7[%dma_wait3A_128, %dma_wait3A_129] : memref<80x512xf32, #tpu.memory_space<vmem>> -> memref<80x512xf32, #tpu.memory_space<vmem>>
    tpu.wait_dma2 semaphore(%arg13 : memref<!tpu.dma_semaphore, #tpu.memory_space<semaphore_mem>>) src(%dma_wait3A_130 : memref<80x512xf32, #tpu.memory_space<vmem>>) dst(%dma_wait3A_127 : memref<80x512xf32, #tpu.memory_space<hbm>>)
    %dma_start3A_131 = arith.constant 0 : i32
    %dma_start3A_132 = arith.constant 0 : i32
    %dma_start3A_133 = tpu.memref_slice %arg7[%dma_start3A_131, %dma_start3A_132] : memref<80x512xf32, #tpu.memory_space<vmem>> -> memref<80x512xf32, #tpu.memory_space<vmem>>
    %dma_start3A_134 = arith.constant 320 : i32
    %dma_start3A_135 = tpu.memref_slice %arg5[%dma_start3A_134] : memref<1024xi32, #tpu.memory_space<vmem>> -> memref<80xi32, #tpu.memory_space<vmem>>
    %dma_start3A_136 = arith.constant 0 : i32
    %dma_start3A_137 = arith.constant 0 : i32
    %dma_start3A_138 = tpu.memref_slice %arg3[%dma_start3A_136, %dma_start3A_137] : memref<50258x512xf32, #tpu.memory_space<hbm>> -> memref<50258x512xf32, #tpu.memory_space<hbm>>
    tpu.enqueue_indirect_dma source(%dma_start3A_138 : memref<50258x512xf32, #tpu.memory_space<hbm>>) target(%dma_start3A_133 : memref<80x512xf32, #tpu.memory_space<vmem>>) offsets(%dma_start3A_135 : memref<80xi32, #tpu.memory_space<vmem>>) semaphore(%arg10 : memref<!tpu.dma_semaphore, #tpu.memory_space<semaphore_mem>>)
    %dma_wait3A_139 = arith.constant 0 : i32
    %dma_wait3A_140 = arith.constant 0 : i32
    %dma_wait3A_141 = tpu.memref_slice %arg8[%dma_wait3A_139, %dma_wait3A_140] : memref<80x512xf32, #tpu.memory_space<vmem>> -> memref<80x512xf32, #tpu.memory_space<vmem>>
    %dma_wait3A_142 = arith.constant 160 : i32
    %dma_wait3A_143 = tpu.memref_slice %arg5[%dma_wait3A_142] : memref<1024xi32, #tpu.memory_space<vmem>> -> memref<80xi32, #tpu.memory_space<vmem>>
    %dma_wait3A_144 = arith.constant 0 : i32
    %dma_wait3A_145 = arith.constant 0 : i32
    %dma_wait3A_146 = tpu.memref_slice %arg3[%dma_wait3A_144, %dma_wait3A_145] : memref<50258x512xf32, #tpu.memory_space<hbm>> -> memref<50258x512xf32, #tpu.memory_space<hbm>>
    tpu.wait_indirect_dma semaphore(%arg11 : memref<!tpu.dma_semaphore, #tpu.memory_space<semaphore_mem>>) src(%dma_wait3A_146 : memref<50258x512xf32, #tpu.memory_space<hbm>>) dst(%dma_wait3A_141 : memref<80x512xf32, #tpu.memory_space<vmem>>)
    %add3A_147 = arith.constant 160 : i32
    %add3A_148 = arith.addi %mul3A_32, %add3A_147 : i32
    %dma_start3A_149 = arith.constant 0 : i32
    %dma_start3A_150 = arith.constant 0 : i32
    %dma_start3A_151 = tpu.memref_slice %arg8[%dma_start3A_149, %dma_start3A_150] : memref<80x512xf32, #tpu.memory_space<vmem>> -> memref<80x512xf32, #tpu.memory_space<vmem>>
    %dma_start3A_152 = arith.constant 0 : i32
    %dma_start3A_153 = tpu.memref_slice %arg4[%select_n3A, %add3A_148, %dma_start3A_152] : memref<4x8192x512xf32, #tpu.memory_space<hbm>> -> memref<1x80x512xf32, #tpu.memory_space<hbm>>
    %dma_start3A_154 = tpu.memref_squeeze %dma_start3A_153 : memref<1x80x512xf32, #tpu.memory_space<hbm>> -> memref<80x512xf32, #tpu.memory_space<hbm>>
    %dma_start3A_155 = arith.constant 0 : i32
    %dma_start3A_156 = tpu.memref_slice %arg4[%select_n3A, %add3A_148, %dma_start3A_155] : memref<4x8192x512xf32, #tpu.memory_space<hbm>> -> memref<1x80x512xf32, #tpu.memory_space<hbm>>
    %dma_start3A_157 = tpu.memref_squeeze %dma_start3A_156 : memref<1x80x512xf32, #tpu.memory_space<hbm>> -> memref<80x512xf32, #tpu.memory_space<hbm>>
    %dma_start3A_158 = arith.constant 0 : i32
    %dma_start3A_159 = arith.constant 0 : i32
    %dma_start3A_160 = tpu.memref_slice %arg8[%dma_start3A_158, %dma_start3A_159] : memref<80x512xf32, #tpu.memory_space<vmem>> -> memref<80x512xf32, #tpu.memory_space<vmem>>
    tpu.enqueue_dma source(%dma_start3A_160 : memref<80x512xf32, #tpu.memory_space<vmem>>) target(%dma_start3A_157 : memref<80x512xf32, #tpu.memory_space<hbm>>) target_semaphore(%arg14 : memref<!tpu.dma_semaphore, #tpu.memory_space<semaphore_mem>>)
    %dma_wait3A_161 = arith.constant 0 : i32
    %dma_wait3A_162 = arith.constant 0 : i32
    %dma_wait3A_163 = tpu.memref_slice %arg8[%dma_wait3A_161, %dma_wait3A_162] : memref<80x512xf32, #tpu.memory_space<vmem>> -> memref<80x512xf32, #tpu.memory_space<vmem>>
    %dma_wait3A_164 = arith.constant 0 : i32
    %dma_wait3A_165 = tpu.memref_slice %arg4[%select_n3A, %add3A_148, %dma_wait3A_164] : memref<4x8192x512xf32, #tpu.memory_space<hbm>> -> memref<1x80x512xf32, #tpu.memory_space<hbm>>
    %dma_wait3A_166 = tpu.memref_squeeze %dma_wait3A_165 : memref<1x80x512xf32, #tpu.memory_space<hbm>> -> memref<80x512xf32, #tpu.memory_space<hbm>>
    %dma_wait3A_167 = arith.constant 0 : i32
    %dma_wait3A_168 = tpu.memref_slice %arg4[%select_n3A, %add3A_148, %dma_wait3A_167] : memref<4x8192x512xf32, #tpu.memory_space<hbm>> -> memref<1x80x512xf32, #tpu.memory_space<hbm>>
    %dma_wait3A_169 = tpu.memref_squeeze %dma_wait3A_168 : memref<1x80x512xf32, #tpu.memory_space<hbm>> -> memref<80x512xf32, #tpu.memory_space<hbm>>
    %dma_wait3A_170 = arith.constant 0 : i32
    %dma_wait3A_171 = arith.constant 0 : i32
    %dma_wait3A_172 = tpu.memref_slice %arg8[%dma_wait3A_170, %dma_wait3A_171] : memref<80x512xf32, #tpu.memory_space<vmem>> -> memref<80x512xf32, #tpu.memory_space<vmem>>
    tpu.wait_dma2 semaphore(%arg14 : memref<!tpu.dma_semaphore, #tpu.memory_space<semaphore_mem>>) src(%dma_wait3A_172 : memref<80x512xf32, #tpu.memory_space<vmem>>) dst(%dma_wait3A_169 : memref<80x512xf32, #tpu.memory_space<hbm>>)
    %dma_start3A_173 = arith.constant 0 : i32
    %dma_start3A_174 = arith.constant 0 : i32
    %dma_start3A_175 = tpu.memref_slice %arg8[%dma_start3A_173, %dma_start3A_174] : memref<80x512xf32, #tpu.memory_space<vmem>> -> memref<80x512xf32, #tpu.memory_space<vmem>>
    %dma_start3A_176 = arith.constant 400 : i32
    %dma_start3A_177 = tpu.memref_slice %arg5[%dma_start3A_176] : memref<1024xi32, #tpu.memory_space<vmem>> -> memref<80xi32, #tpu.memory_space<vmem>>
    %dma_start3A_178 = arith.constant 0 : i32
    %dma_start3A_179 = arith.constant 0 : i32
    %dma_start3A_180 = tpu.memref_slice %arg3[%dma_start3A_178, %dma_start3A_179] : memref<50258x512xf32, #tpu.memory_space<hbm>> -> memref<50258x512xf32, #tpu.memory_space<hbm>>
    tpu.enqueue_indirect_dma source(%dma_start3A_180 : memref<50258x512xf32, #tpu.memory_space<hbm>>) target(%dma_start3A_175 : memref<80x512xf32, #tpu.memory_space<vmem>>) offsets(%dma_start3A_177 : memref<80xi32, #tpu.memory_space<vmem>>) semaphore(%arg11 : memref<!tpu.dma_semaphore, #tpu.memory_space<semaphore_mem>>)
    %dma_wait3A_181 = arith.constant 0 : i32
    %dma_wait3A_182 = arith.constant 0 : i32
    %dma_wait3A_183 = tpu.memref_slice %arg6[%dma_wait3A_181, %dma_wait3A_182] : memref<80x512xf32, #tpu.memory_space<vmem>> -> memref<80x512xf32, #tpu.memory_space<vmem>>
    %dma_wait3A_184 = arith.constant 240 : i32
    %dma_wait3A_185 = tpu.memref_slice %arg5[%dma_wait3A_184] : memref<1024xi32, #tpu.memory_space<vmem>> -> memref<80xi32, #tpu.memory_space<vmem>>
    %dma_wait3A_186 = arith.constant 0 : i32
    %dma_wait3A_187 = arith.constant 0 : i32
    %dma_wait3A_188 = tpu.memref_slice %arg3[%dma_wait3A_186, %dma_wait3A_187] : memref<50258x512xf32, #tpu.memory_space<hbm>> -> memref<50258x512xf32, #tpu.memory_space<hbm>>
    tpu.wait_indirect_dma semaphore(%arg9 : memref<!tpu.dma_semaphore, #tpu.memory_space<semaphore_mem>>) src(%dma_wait3A_188 : memref<50258x512xf32, #tpu.memory_space<hbm>>) dst(%dma_wait3A_183 : memref<80x512xf32, #tpu.memory_space<vmem>>)
    %add3A_189 = arith.constant 240 : i32
    %add3A_190 = arith.addi %mul3A_32, %add3A_189 : i32
    %dma_start3A_191 = arith.constant 0 : i32
    %dma_start3A_192 = arith.constant 0 : i32
    %dma_start3A_193 = tpu.memref_slice %arg6[%dma_start3A_191, %dma_start3A_192] : memref<80x512xf32, #tpu.memory_space<vmem>> -> memref<80x512xf32, #tpu.memory_space<vmem>>
    %dma_start3A_194 = arith.constant 0 : i32
    %dma_start3A_195 = tpu.memref_slice %arg4[%select_n3A, %add3A_190, %dma_start3A_194] : memref<4x8192x512xf32, #tpu.memory_space<hbm>> -> memref<1x80x512xf32, #tpu.memory_space<hbm>>
    %dma_start3A_196 = tpu.memref_squeeze %dma_start3A_195 : memref<1x80x512xf32, #tpu.memory_space<hbm>> -> memref<80x512xf32, #tpu.memory_space<hbm>>
    %dma_start3A_197 = arith.constant 0 : i32
    %dma_start3A_198 = tpu.memref_slice %arg4[%select_n3A, %add3A_190, %dma_start3A_197] : memref<4x8192x512xf32, #tpu.memory_space<hbm>> -> memref<1x80x512xf32, #tpu.memory_space<hbm>>
    %dma_start3A_199 = tpu.memref_squeeze %dma_start3A_198 : memref<1x80x512xf32, #tpu.memory_space<hbm>> -> memref<80x512xf32, #tpu.memory_space<hbm>>
    %dma_start3A_200 = arith.constant 0 : i32
    %dma_start3A_201 = arith.constant 0 : i32
    %dma_start3A_202 = tpu.memref_slice %arg6[%dma_start3A_200, %dma_start3A_201] : memref<80x512xf32, #tpu.memory_space<vmem>> -> memref<80x512xf32, #tpu.memory_space<vmem>>
    tpu.enqueue_dma source(%dma_start3A_202 : memref<80x512xf32, #tpu.memory_space<vmem>>) target(%dma_start3A_199 : memref<80x512xf32, #tpu.memory_space<hbm>>) target_semaphore(%arg12 : memref<!tpu.dma_semaphore, #tpu.memory_space<semaphore_mem>>)
    %dma_wait3A_203 = arith.constant 0 : i32
    %dma_wait3A_204 = arith.constant 0 : i32
    %dma_wait3A_205 = tpu.memref_slice %arg6[%dma_wait3A_203, %dma_wait3A_204] : memref<80x512xf32, #tpu.memory_space<vmem>> -> memref<80x512xf32, #tpu.memory_space<vmem>>
    %dma_wait3A_206 = arith.constant 0 : i32
    %dma_wait3A_207 = tpu.memref_slice %arg4[%select_n3A, %add3A_190, %dma_wait3A_206] : memref<4x8192x512xf32, #tpu.memory_space<hbm>> -> memref<1x80x512xf32, #tpu.memory_space<hbm>>
    %dma_wait3A_208 = tpu.memref_squeeze %dma_wait3A_207 : memref<1x80x512xf32, #tpu.memory_space<hbm>> -> memref<80x512xf32, #tpu.memory_space<hbm>>
    %dma_wait3A_209 = arith.constant 0 : i32
    %dma_wait3A_210 = tpu.memref_slice %arg4[%select_n3A, %add3A_190, %dma_wait3A_209] : memref<4x8192x512xf32, #tpu.memory_space<hbm>> -> memref<1x80x512xf32, #tpu.memory_space<hbm>>
    %dma_wait3A_211 = tpu.memref_squeeze %dma_wait3A_210 : memref<1x80x512xf32, #tpu.memory_space<hbm>> -> memref<80x512xf32, #tpu.memory_space<hbm>>
    %dma_wait3A_212 = arith.constant 0 : i32
    %dma_wait3A_213 = arith.constant 0 : i32
    %dma_wait3A_214 = tpu.memref_slice %arg6[%dma_wait3A_212, %dma_wait3A_213] : memref<80x512xf32, #tpu.memory_space<vmem>> -> memref<80x512xf32, #tpu.memory_space<vmem>>
    tpu.wait_dma2 semaphore(%arg12 : memref<!tpu.dma_semaphore, #tpu.memory_space<semaphore_mem>>) src(%dma_wait3A_214 : memref<80x512xf32, #tpu.memory_space<vmem>>) dst(%dma_wait3A_211 : memref<80x512xf32, #tpu.memory_space<hbm>>)
    %dma_start3A_215 = arith.constant 0 : i32
    %dma_start3A_216 = arith.constant 0 : i32
    %dma_start3A_217 = tpu.memref_slice %arg6[%dma_start3A_215, %dma_start3A_216] : memref<80x512xf32, #tpu.memory_space<vmem>> -> memref<80x512xf32, #tpu.memory_space<vmem>>
    %dma_start3A_218 = arith.constant 480 : i32
    %dma_start3A_219 = tpu.memref_slice %arg5[%dma_start3A_218] : memref<1024xi32, #tpu.memory_space<vmem>> -> memref<80xi32, #tpu.memory_space<vmem>>
    %dma_start3A_220 = arith.constant 0 : i32
    %dma_start3A_221 = arith.constant 0 : i32
    %dma_start3A_222 = tpu.memref_slice %arg3[%dma_start3A_220, %dma_start3A_221] : memref<50258x512xf32, #tpu.memory_space<hbm>> -> memref<50258x512xf32, #tpu.memory_space<hbm>>
    tpu.enqueue_indirect_dma source(%dma_start3A_222 : memref<50258x512xf32, #tpu.memory_space<hbm>>) target(%dma_start3A_217 : memref<80x512xf32, #tpu.memory_space<vmem>>) offsets(%dma_start3A_219 : memref<80xi32, #tpu.memory_space<vmem>>) semaphore(%arg9 : memref<!tpu.dma_semaphore, #tpu.memory_space<semaphore_mem>>)
    %dma_wait3A_223 = arith.constant 0 : i32
    %dma_wait3A_224 = arith.constant 0 : i32
    %dma_wait3A_225 = tpu.memref_slice %arg7[%dma_wait3A_223, %dma_wait3A_224] : memref<80x512xf32, #tpu.memory_space<vmem>> -> memref<80x512xf32, #tpu.memory_space<vmem>>
    %dma_wait3A_226 = arith.constant 320 : i32
    %dma_wait3A_227 = tpu.memref_slice %arg5[%dma_wait3A_226] : memref<1024xi32, #tpu.memory_space<vmem>> -> memref<80xi32, #tpu.memory_space<vmem>>
    %dma_wait3A_228 = arith.constant 0 : i32
    %dma_wait3A_229 = arith.constant 0 : i32
    %dma_wait3A_230 = tpu.memref_slice %arg3[%dma_wait3A_228, %dma_wait3A_229] : memref<50258x512xf32, #tpu.memory_space<hbm>> -> memref<50258x512xf32, #tpu.memory_space<hbm>>
    tpu.wait_indirect_dma semaphore(%arg10 : memref<!tpu.dma_semaphore, #tpu.memory_space<semaphore_mem>>) src(%dma_wait3A_230 : memref<50258x512xf32, #tpu.memory_space<hbm>>) dst(%dma_wait3A_225 : memref<80x512xf32, #tpu.memory_space<vmem>>)
    %add3A_231 = arith.constant 320 : i32
    %add3A_232 = arith.addi %mul3A_32, %add3A_231 : i32
    %dma_start3A_233 = arith.constant 0 : i32
    %dma_start3A_234 = arith.constant 0 : i32
    %dma_start3A_235 = tpu.memref_slice %arg7[%dma_start3A_233, %dma_start3A_234] : memref<80x512xf32, #tpu.memory_space<vmem>> -> memref<80x512xf32, #tpu.memory_space<vmem>>
    %dma_start3A_236 = arith.constant 0 : i32
    %dma_start3A_237 = tpu.memref_slice %arg4[%select_n3A, %add3A_232, %dma_start3A_236] : memref<4x8192x512xf32, #tpu.memory_space<hbm>> -> memref<1x80x512xf32, #tpu.memory_space<hbm>>
    %dma_start3A_238 = tpu.memref_squeeze %dma_start3A_237 : memref<1x80x512xf32, #tpu.memory_space<hbm>> -> memref<80x512xf32, #tpu.memory_space<hbm>>
    %dma_start3A_239 = arith.constant 0 : i32
    %dma_start3A_240 = tpu.memref_slice %arg4[%select_n3A, %add3A_232, %dma_start3A_239] : memref<4x8192x512xf32, #tpu.memory_space<hbm>> -> memref<1x80x512xf32, #tpu.memory_space<hbm>>
    %dma_start3A_241 = tpu.memref_squeeze %dma_start3A_240 : memref<1x80x512xf32, #tpu.memory_space<hbm>> -> memref<80x512xf32, #tpu.memory_space<hbm>>
    %dma_start3A_242 = arith.constant 0 : i32
    %dma_start3A_243 = arith.constant 0 : i32
    %dma_start3A_244 = tpu.memref_slice %arg7[%dma_start3A_242, %dma_start3A_243] : memref<80x512xf32, #tpu.memory_space<vmem>> -> memref<80x512xf32, #tpu.memory_space<vmem>>
    tpu.enqueue_dma source(%dma_start3A_244 : memref<80x512xf32, #tpu.memory_space<vmem>>) target(%dma_start3A_241 : memref<80x512xf32, #tpu.memory_space<hbm>>) target_semaphore(%arg13 : memref<!tpu.dma_semaphore, #tpu.memory_space<semaphore_mem>>)
    %dma_wait3A_245 = arith.constant 0 : i32
    %dma_wait3A_246 = arith.constant 0 : i32
    %dma_wait3A_247 = tpu.memref_slice %arg7[%dma_wait3A_245, %dma_wait3A_246] : memref<80x512xf32, #tpu.memory_space<vmem>> -> memref<80x512xf32, #tpu.memory_space<vmem>>
    %dma_wait3A_248 = arith.constant 0 : i32
    %dma_wait3A_249 = tpu.memref_slice %arg4[%select_n3A, %add3A_232, %dma_wait3A_248] : memref<4x8192x512xf32, #tpu.memory_space<hbm>> -> memref<1x80x512xf32, #tpu.memory_space<hbm>>
    %dma_wait3A_250 = tpu.memref_squeeze %dma_wait3A_249 : memref<1x80x512xf32, #tpu.memory_space<hbm>> -> memref<80x512xf32, #tpu.memory_space<hbm>>
    %dma_wait3A_251 = arith.constant 0 : i32
    %dma_wait3A_252 = tpu.memref_slice %arg4[%select_n3A, %add3A_232, %dma_wait3A_251] : memref<4x8192x512xf32, #tpu.memory_space<hbm>> -> memref<1x80x512xf32, #tpu.memory_space<hbm>>
    %dma_wait3A_253 = tpu.memref_squeeze %dma_wait3A_252 : memref<1x80x512xf32, #tpu.memory_space<hbm>> -> memref<80x512xf32, #tpu.memory_space<hbm>>
    %dma_wait3A_254 = arith.constant 0 : i32
    %dma_wait3A_255 = arith.constant 0 : i32
    %dma_wait3A_256 = tpu.memref_slice %arg7[%dma_wait3A_254, %dma_wait3A_255] : memref<80x512xf32, #tpu.memory_space<vmem>> -> memref<80x512xf32, #tpu.memory_space<vmem>>
    tpu.wait_dma2 semaphore(%arg13 : memref<!tpu.dma_semaphore, #tpu.memory_space<semaphore_mem>>) src(%dma_wait3A_256 : memref<80x512xf32, #tpu.memory_space<vmem>>) dst(%dma_wait3A_253 : memref<80x512xf32, #tpu.memory_space<hbm>>)
    %dma_start3A_257 = arith.constant 0 : i32
    %dma_start3A_258 = arith.constant 0 : i32
    %dma_start3A_259 = tpu.memref_slice %arg7[%dma_start3A_257, %dma_start3A_258] : memref<80x512xf32, #tpu.memory_space<vmem>> -> memref<80x512xf32, #tpu.memory_space<vmem>>
    %dma_start3A_260 = arith.constant 560 : i32
    %dma_start3A_261 = tpu.memref_slice %arg5[%dma_start3A_260] : memref<1024xi32, #tpu.memory_space<vmem>> -> memref<80xi32, #tpu.memory_space<vmem>>
    %dma_start3A_262 = arith.constant 0 : i32
    %dma_start3A_263 = arith.constant 0 : i32
    %dma_start3A_264 = tpu.memref_slice %arg3[%dma_start3A_262, %dma_start3A_263] : memref<50258x512xf32, #tpu.memory_space<hbm>> -> memref<50258x512xf32, #tpu.memory_space<hbm>>
    tpu.enqueue_indirect_dma source(%dma_start3A_264 : memref<50258x512xf32, #tpu.memory_space<hbm>>) target(%dma_start3A_259 : memref<80x512xf32, #tpu.memory_space<vmem>>) offsets(%dma_start3A_261 : memref<80xi32, #tpu.memory_space<vmem>>) semaphore(%arg10 : memref<!tpu.dma_semaphore, #tpu.memory_space<semaphore_mem>>)
    %dma_wait3A_265 = arith.constant 0 : i32
    %dma_wait3A_266 = arith.constant 0 : i32
    %dma_wait3A_267 = tpu.memref_slice %arg8[%dma_wait3A_265, %dma_wait3A_266] : memref<80x512xf32, #tpu.memory_space<vmem>> -> memref<80x512xf32, #tpu.memory_space<vmem>>
    %dma_wait3A_268 = arith.constant 400 : i32
    %dma_wait3A_269 = tpu.memref_slice %arg5[%dma_wait3A_268] : memref<1024xi32, #tpu.memory_space<vmem>> -> memref<80xi32, #tpu.memory_space<vmem>>
    %dma_wait3A_270 = arith.constant 0 : i32
    %dma_wait3A_271 = arith.constant 0 : i32
    %dma_wait3A_272 = tpu.memref_slice %arg3[%dma_wait3A_270, %dma_wait3A_271] : memref<50258x512xf32, #tpu.memory_space<hbm>> -> memref<50258x512xf32, #tpu.memory_space<hbm>>
    tpu.wait_indirect_dma semaphore(%arg11 : memref<!tpu.dma_semaphore, #tpu.memory_space<semaphore_mem>>) src(%dma_wait3A_272 : memref<50258x512xf32, #tpu.memory_space<hbm>>) dst(%dma_wait3A_267 : memref<80x512xf32, #tpu.memory_space<vmem>>)
    %add3A_273 = arith.constant 400 : i32
    %add3A_274 = arith.addi %mul3A_32, %add3A_273 : i32
    %dma_start3A_275 = arith.constant 0 : i32
    %dma_start3A_276 = arith.constant 0 : i32
    %dma_start3A_277 = tpu.memref_slice %arg8[%dma_start3A_275, %dma_start3A_276] : memref<80x512xf32, #tpu.memory_space<vmem>> -> memref<80x512xf32, #tpu.memory_space<vmem>>
    %dma_start3A_278 = arith.constant 0 : i32
    %dma_start3A_279 = tpu.memref_slice %arg4[%select_n3A, %add3A_274, %dma_start3A_278] : memref<4x8192x512xf32, #tpu.memory_space<hbm>> -> memref<1x80x512xf32, #tpu.memory_space<hbm>>
    %dma_start3A_280 = tpu.memref_squeeze %dma_start3A_279 : memref<1x80x512xf32, #tpu.memory_space<hbm>> -> memref<80x512xf32, #tpu.memory_space<hbm>>
    %dma_start3A_281 = arith.constant 0 : i32
    %dma_start3A_282 = tpu.memref_slice %arg4[%select_n3A, %add3A_274, %dma_start3A_281] : memref<4x8192x512xf32, #tpu.memory_space<hbm>> -> memref<1x80x512xf32, #tpu.memory_space<hbm>>
    %dma_start3A_283 = tpu.memref_squeeze %dma_start3A_282 : memref<1x80x512xf32, #tpu.memory_space<hbm>> -> memref<80x512xf32, #tpu.memory_space<hbm>>
    %dma_start3A_284 = arith.constant 0 : i32
    %dma_start3A_285 = arith.constant 0 : i32
    %dma_start3A_286 = tpu.memref_slice %arg8[%dma_start3A_284, %dma_start3A_285] : memref<80x512xf32, #tpu.memory_space<vmem>> -> memref<80x512xf32, #tpu.memory_space<vmem>>
    tpu.enqueue_dma source(%dma_start3A_286 : memref<80x512xf32, #tpu.memory_space<vmem>>) target(%dma_start3A_283 : memref<80x512xf32, #tpu.memory_space<hbm>>) target_semaphore(%arg14 : memref<!tpu.dma_semaphore, #tpu.memory_space<semaphore_mem>>)
    %dma_wait3A_287 = arith.constant 0 : i32
    %dma_wait3A_288 = arith.constant 0 : i32
    %dma_wait3A_289 = tpu.memref_slice %arg8[%dma_wait3A_287, %dma_wait3A_288] : memref<80x512xf32, #tpu.memory_space<vmem>> -> memref<80x512xf32, #tpu.memory_space<vmem>>
    %dma_wait3A_290 = arith.constant 0 : i32
    %dma_wait3A_291 = tpu.memref_slice %arg4[%select_n3A, %add3A_274, %dma_wait3A_290] : memref<4x8192x512xf32, #tpu.memory_space<hbm>> -> memref<1x80x512xf32, #tpu.memory_space<hbm>>
    %dma_wait3A_292 = tpu.memref_squeeze %dma_wait3A_291 : memref<1x80x512xf32, #tpu.memory_space<hbm>> -> memref<80x512xf32, #tpu.memory_space<hbm>>
    %dma_wait3A_293 = arith.constant 0 : i32
    %dma_wait3A_294 = tpu.memref_slice %arg4[%select_n3A, %add3A_274, %dma_wait3A_293] : memref<4x8192x512xf32, #tpu.memory_space<hbm>> -> memref<1x80x512xf32, #tpu.memory_space<hbm>>
    %dma_wait3A_295 = tpu.memref_squeeze %dma_wait3A_294 : memref<1x80x512xf32, #tpu.memory_space<hbm>> -> memref<80x512xf32, #tpu.memory_space<hbm>>
    %dma_wait3A_296 = arith.constant 0 : i32
    %dma_wait3A_297 = arith.constant 0 : i32
    %dma_wait3A_298 = tpu.memref_slice %arg8[%dma_wait3A_296, %dma_wait3A_297] : memref<80x512xf32, #tpu.memory_space<vmem>> -> memref<80x512xf32, #tpu.memory_space<vmem>>
    tpu.wait_dma2 semaphore(%arg14 : memref<!tpu.dma_semaphore, #tpu.memory_space<semaphore_mem>>) src(%dma_wait3A_298 : memref<80x512xf32, #tpu.memory_space<vmem>>) dst(%dma_wait3A_295 : memref<80x512xf32, #tpu.memory_space<hbm>>)
    %dma_start3A_299 = arith.constant 0 : i32
    %dma_start3A_300 = arith.constant 0 : i32
    %dma_start3A_301 = tpu.memref_slice %arg8[%dma_start3A_299, %dma_start3A_300] : memref<80x512xf32, #tpu.memory_space<vmem>> -> memref<80x512xf32, #tpu.memory_space<vmem>>
    %dma_start3A_302 = arith.constant 640 : i32
    %dma_start3A_303 = tpu.memref_slice %arg5[%dma_start3A_302] : memref<1024xi32, #tpu.memory_space<vmem>> -> memref<80xi32, #tpu.memory_space<vmem>>
    %dma_start3A_304 = arith.constant 0 : i32
    %dma_start3A_305 = arith.constant 0 : i32
    %dma_start3A_306 = tpu.memref_slice %arg3[%dma_start3A_304, %dma_start3A_305] : memref<50258x512xf32, #tpu.memory_space<hbm>> -> memref<50258x512xf32, #tpu.memory_space<hbm>>
    tpu.enqueue_indirect_dma source(%dma_start3A_306 : memref<50258x512xf32, #tpu.memory_space<hbm>>) target(%dma_start3A_301 : memref<80x512xf32, #tpu.memory_space<vmem>>) offsets(%dma_start3A_303 : memref<80xi32, #tpu.memory_space<vmem>>) semaphore(%arg11 : memref<!tpu.dma_semaphore, #tpu.memory_space<semaphore_mem>>)
    %dma_wait3A_307 = arith.constant 0 : i32
    %dma_wait3A_308 = arith.constant 0 : i32
    %dma_wait3A_309 = tpu.memref_slice %arg6[%dma_wait3A_307, %dma_wait3A_308] : memref<80x512xf32, #tpu.memory_space<vmem>> -> memref<80x512xf32, #tpu.memory_space<vmem>>
    %dma_wait3A_310 = arith.constant 480 : i32
    %dma_wait3A_311 = tpu.memref_slice %arg5[%dma_wait3A_310] : memref<1024xi32, #tpu.memory_space<vmem>> -> memref<80xi32, #tpu.memory_space<vmem>>
    %dma_wait3A_312 = arith.constant 0 : i32
    %dma_wait3A_313 = arith.constant 0 : i32
    %dma_wait3A_314 = tpu.memref_slice %arg3[%dma_wait3A_312, %dma_wait3A_313] : memref<50258x512xf32, #tpu.memory_space<hbm>> -> memref<50258x512xf32, #tpu.memory_space<hbm>>
    tpu.wait_indirect_dma semaphore(%arg9 : memref<!tpu.dma_semaphore, #tpu.memory_space<semaphore_mem>>) src(%dma_wait3A_314 : memref<50258x512xf32, #tpu.memory_space<hbm>>) dst(%dma_wait3A_309 : memref<80x512xf32, #tpu.memory_space<vmem>>)
    %add3A_315 = arith.constant 480 : i32
    %add3A_316 = arith.addi %mul3A_32, %add3A_315 : i32
    %dma_start3A_317 = arith.constant 0 : i32
    %dma_start3A_318 = arith.constant 0 : i32
    %dma_start3A_319 = tpu.memref_slice %arg6[%dma_start3A_317, %dma_start3A_318] : memref<80x512xf32, #tpu.memory_space<vmem>> -> memref<80x512xf32, #tpu.memory_space<vmem>>
    %dma_start3A_320 = arith.constant 0 : i32
    %dma_start3A_321 = tpu.memref_slice %arg4[%select_n3A, %add3A_316, %dma_start3A_320] : memref<4x8192x512xf32, #tpu.memory_space<hbm>> -> memref<1x80x512xf32, #tpu.memory_space<hbm>>
    %dma_start3A_322 = tpu.memref_squeeze %dma_start3A_321 : memref<1x80x512xf32, #tpu.memory_space<hbm>> -> memref<80x512xf32, #tpu.memory_space<hbm>>
    %dma_start3A_323 = arith.constant 0 : i32
    %dma_start3A_324 = tpu.memref_slice %arg4[%select_n3A, %add3A_316, %dma_start3A_323] : memref<4x8192x512xf32, #tpu.memory_space<hbm>> -> memref<1x80x512xf32, #tpu.memory_space<hbm>>
    %dma_start3A_325 = tpu.memref_squeeze %dma_start3A_324 : memref<1x80x512xf32, #tpu.memory_space<hbm>> -> memref<80x512xf32, #tpu.memory_space<hbm>>
    %dma_start3A_326 = arith.constant 0 : i32
    %dma_start3A_327 = arith.constant 0 : i32
    %dma_start3A_328 = tpu.memref_slice %arg6[%dma_start3A_326, %dma_start3A_327] : memref<80x512xf32, #tpu.memory_space<vmem>> -> memref<80x512xf32, #tpu.memory_space<vmem>>
    tpu.enqueue_dma source(%dma_start3A_328 : memref<80x512xf32, #tpu.memory_space<vmem>>) target(%dma_start3A_325 : memref<80x512xf32, #tpu.memory_space<hbm>>) target_semaphore(%arg12 : memref<!tpu.dma_semaphore, #tpu.memory_space<semaphore_mem>>)
    %dma_wait3A_329 = arith.constant 0 : i32
    %dma_wait3A_330 = arith.constant 0 : i32
    %dma_wait3A_331 = tpu.memref_slice %arg6[%dma_wait3A_329, %dma_wait3A_330] : memref<80x512xf32, #tpu.memory_space<vmem>> -> memref<80x512xf32, #tpu.memory_space<vmem>>
    %dma_wait3A_332 = arith.constant 0 : i32
    %dma_wait3A_333 = tpu.memref_slice %arg4[%select_n3A, %add3A_316, %dma_wait3A_332] : memref<4x8192x512xf32, #tpu.memory_space<hbm>> -> memref<1x80x512xf32, #tpu.memory_space<hbm>>
    %dma_wait3A_334 = tpu.memref_squeeze %dma_wait3A_333 : memref<1x80x512xf32, #tpu.memory_space<hbm>> -> memref<80x512xf32, #tpu.memory_space<hbm>>
    %dma_wait3A_335 = arith.constant 0 : i32
    %dma_wait3A_336 = tpu.memref_slice %arg4[%select_n3A, %add3A_316, %dma_wait3A_335] : memref<4x8192x512xf32, #tpu.memory_space<hbm>> -> memref<1x80x512xf32, #tpu.memory_space<hbm>>
    %dma_wait3A_337 = tpu.memref_squeeze %dma_wait3A_336 : memref<1x80x512xf32, #tpu.memory_space<hbm>> -> memref<80x512xf32, #tpu.memory_space<hbm>>
    %dma_wait3A_338 = arith.constant 0 : i32
    %dma_wait3A_339 = arith.constant 0 : i32
    %dma_wait3A_340 = tpu.memref_slice %arg6[%dma_wait3A_338, %dma_wait3A_339] : memref<80x512xf32, #tpu.memory_space<vmem>> -> memref<80x512xf32, #tpu.memory_space<vmem>>
    tpu.wait_dma2 semaphore(%arg12 : memref<!tpu.dma_semaphore, #tpu.memory_space<semaphore_mem>>) src(%dma_wait3A_340 : memref<80x512xf32, #tpu.memory_space<vmem>>) dst(%dma_wait3A_337 : memref<80x512xf32, #tpu.memory_space<hbm>>)
    %dma_start3A_341 = arith.constant 0 : i32
    %dma_start3A_342 = arith.constant 0 : i32
    %dma_start3A_343 = tpu.memref_slice %arg6[%dma_start3A_341, %dma_start3A_342] : memref<80x512xf32, #tpu.memory_space<vmem>> -> memref<80x512xf32, #tpu.memory_space<vmem>>
    %dma_start3A_344 = arith.constant 720 : i32
    %dma_start3A_345 = tpu.memref_slice %arg5[%dma_start3A_344] : memref<1024xi32, #tpu.memory_space<vmem>> -> memref<80xi32, #tpu.memory_space<vmem>>
    %dma_start3A_346 = arith.constant 0 : i32
    %dma_start3A_347 = arith.constant 0 : i32
    %dma_start3A_348 = tpu.memref_slice %arg3[%dma_start3A_346, %dma_start3A_347] : memref<50258x512xf32, #tpu.memory_space<hbm>> -> memref<50258x512xf32, #tpu.memory_space<hbm>>
    tpu.enqueue_indirect_dma source(%dma_start3A_348 : memref<50258x512xf32, #tpu.memory_space<hbm>>) target(%dma_start3A_343 : memref<80x512xf32, #tpu.memory_space<vmem>>) offsets(%dma_start3A_345 : memref<80xi32, #tpu.memory_space<vmem>>) semaphore(%arg9 : memref<!tpu.dma_semaphore, #tpu.memory_space<semaphore_mem>>)
    %dma_wait3A_349 = arith.constant 0 : i32
    %dma_wait3A_350 = arith.constant 0 : i32
    %dma_wait3A_351 = tpu.memref_slice %arg7[%dma_wait3A_349, %dma_wait3A_350] : memref<80x512xf32, #tpu.memory_space<vmem>> -> memref<80x512xf32, #tpu.memory_space<vmem>>
    %dma_wait3A_352 = arith.constant 560 : i32
    %dma_wait3A_353 = tpu.memref_slice %arg5[%dma_wait3A_352] : memref<1024xi32, #tpu.memory_space<vmem>> -> memref<80xi32, #tpu.memory_space<vmem>>
    %dma_wait3A_354 = arith.constant 0 : i32
    %dma_wait3A_355 = arith.constant 0 : i32
    %dma_wait3A_356 = tpu.memref_slice %arg3[%dma_wait3A_354, %dma_wait3A_355] : memref<50258x512xf32, #tpu.memory_space<hbm>> -> memref<50258x512xf32, #tpu.memory_space<hbm>>
    tpu.wait_indirect_dma semaphore(%arg10 : memref<!tpu.dma_semaphore, #tpu.memory_space<semaphore_mem>>) src(%dma_wait3A_356 : memref<50258x512xf32, #tpu.memory_space<hbm>>) dst(%dma_wait3A_351 : memref<80x512xf32, #tpu.memory_space<vmem>>)
    %add3A_357 = arith.constant 560 : i32
    %add3A_358 = arith.addi %mul3A_32, %add3A_357 : i32
    %dma_start3A_359 = arith.constant 0 : i32
    %dma_start3A_360 = arith.constant 0 : i32
    %dma_start3A_361 = tpu.memref_slice %arg7[%dma_start3A_359, %dma_start3A_360] : memref<80x512xf32, #tpu.memory_space<vmem>> -> memref<80x512xf32, #tpu.memory_space<vmem>>
    %dma_start3A_362 = arith.constant 0 : i32
    %dma_start3A_363 = tpu.memref_slice %arg4[%select_n3A, %add3A_358, %dma_start3A_362] : memref<4x8192x512xf32, #tpu.memory_space<hbm>> -> memref<1x80x512xf32, #tpu.memory_space<hbm>>
    %dma_start3A_364 = tpu.memref_squeeze %dma_start3A_363 : memref<1x80x512xf32, #tpu.memory_space<hbm>> -> memref<80x512xf32, #tpu.memory_space<hbm>>
    %dma_start3A_365 = arith.constant 0 : i32
    %dma_start3A_366 = tpu.memref_slice %arg4[%select_n3A, %add3A_358, %dma_start3A_365] : memref<4x8192x512xf32, #tpu.memory_space<hbm>> -> memref<1x80x512xf32, #tpu.memory_space<hbm>>
    %dma_start3A_367 = tpu.memref_squeeze %dma_start3A_366 : memref<1x80x512xf32, #tpu.memory_space<hbm>> -> memref<80x512xf32, #tpu.memory_space<hbm>>
    %dma_start3A_368 = arith.constant 0 : i32
    %dma_start3A_369 = arith.constant 0 : i32
    %dma_start3A_370 = tpu.memref_slice %arg7[%dma_start3A_368, %dma_start3A_369] : memref<80x512xf32, #tpu.memory_space<vmem>> -> memref<80x512xf32, #tpu.memory_space<vmem>>
    tpu.enqueue_dma source(%dma_start3A_370 : memref<80x512xf32, #tpu.memory_space<vmem>>) target(%dma_start3A_367 : memref<80x512xf32, #tpu.memory_space<hbm>>) target_semaphore(%arg13 : memref<!tpu.dma_semaphore, #tpu.memory_space<semaphore_mem>>)
    %dma_wait3A_371 = arith.constant 0 : i32
    %dma_wait3A_372 = arith.constant 0 : i32
    %dma_wait3A_373 = tpu.memref_slice %arg7[%dma_wait3A_371, %dma_wait3A_372] : memref<80x512xf32, #tpu.memory_space<vmem>> -> memref<80x512xf32, #tpu.memory_space<vmem>>
    %dma_wait3A_374 = arith.constant 0 : i32
    %dma_wait3A_375 = tpu.memref_slice %arg4[%select_n3A, %add3A_358, %dma_wait3A_374] : memref<4x8192x512xf32, #tpu.memory_space<hbm>> -> memref<1x80x512xf32, #tpu.memory_space<hbm>>
    %dma_wait3A_376 = tpu.memref_squeeze %dma_wait3A_375 : memref<1x80x512xf32, #tpu.memory_space<hbm>> -> memref<80x512xf32, #tpu.memory_space<hbm>>
    %dma_wait3A_377 = arith.constant 0 : i32
    %dma_wait3A_378 = tpu.memref_slice %arg4[%select_n3A, %add3A_358, %dma_wait3A_377] : memref<4x8192x512xf32, #tpu.memory_space<hbm>> -> memref<1x80x512xf32, #tpu.memory_space<hbm>>
    %dma_wait3A_379 = tpu.memref_squeeze %dma_wait3A_378 : memref<1x80x512xf32, #tpu.memory_space<hbm>> -> memref<80x512xf32, #tpu.memory_space<hbm>>
    %dma_wait3A_380 = arith.constant 0 : i32
    %dma_wait3A_381 = arith.constant 0 : i32
    %dma_wait3A_382 = tpu.memref_slice %arg7[%dma_wait3A_380, %dma_wait3A_381] : memref<80x512xf32, #tpu.memory_space<vmem>> -> memref<80x512xf32, #tpu.memory_space<vmem>>
    tpu.wait_dma2 semaphore(%arg13 : memref<!tpu.dma_semaphore, #tpu.memory_space<semaphore_mem>>) src(%dma_wait3A_382 : memref<80x512xf32, #tpu.memory_space<vmem>>) dst(%dma_wait3A_379 : memref<80x512xf32, #tpu.memory_space<hbm>>)
    %dma_start3A_383 = arith.constant 0 : i32
    %dma_start3A_384 = arith.constant 0 : i32
    %dma_start3A_385 = tpu.memref_slice %arg7[%dma_start3A_383, %dma_start3A_384] : memref<80x512xf32, #tpu.memory_space<vmem>> -> memref<80x512xf32, #tpu.memory_space<vmem>>
    %dma_start3A_386 = arith.constant 800 : i32
    %dma_start3A_387 = tpu.memref_slice %arg5[%dma_start3A_386] : memref<1024xi32, #tpu.memory_space<vmem>> -> memref<80xi32, #tpu.memory_space<vmem>>
    %dma_start3A_388 = arith.constant 0 : i32
    %dma_start3A_389 = arith.constant 0 : i32
    %dma_start3A_390 = tpu.memref_slice %arg3[%dma_start3A_388, %dma_start3A_389] : memref<50258x512xf32, #tpu.memory_space<hbm>> -> memref<50258x512xf32, #tpu.memory_space<hbm>>
    tpu.enqueue_indirect_dma source(%dma_start3A_390 : memref<50258x512xf32, #tpu.memory_space<hbm>>) target(%dma_start3A_385 : memref<80x512xf32, #tpu.memory_space<vmem>>) offsets(%dma_start3A_387 : memref<80xi32, #tpu.memory_space<vmem>>) semaphore(%arg10 : memref<!tpu.dma_semaphore, #tpu.memory_space<semaphore_mem>>)
    %dma_wait3A_391 = arith.constant 0 : i32
    %dma_wait3A_392 = arith.constant 0 : i32
    %dma_wait3A_393 = tpu.memref_slice %arg8[%dma_wait3A_391, %dma_wait3A_392] : memref<80x512xf32, #tpu.memory_space<vmem>> -> memref<80x512xf32, #tpu.memory_space<vmem>>
    %dma_wait3A_394 = arith.constant 640 : i32
    %dma_wait3A_395 = tpu.memref_slice %arg5[%dma_wait3A_394] : memref<1024xi32, #tpu.memory_space<vmem>> -> memref<80xi32, #tpu.memory_space<vmem>>
    %dma_wait3A_396 = arith.constant 0 : i32
    %dma_wait3A_397 = arith.constant 0 : i32
    %dma_wait3A_398 = tpu.memref_slice %arg3[%dma_wait3A_396, %dma_wait3A_397] : memref<50258x512xf32, #tpu.memory_space<hbm>> -> memref<50258x512xf32, #tpu.memory_space<hbm>>
    tpu.wait_indirect_dma semaphore(%arg11 : memref<!tpu.dma_semaphore, #tpu.memory_space<semaphore_mem>>) src(%dma_wait3A_398 : memref<50258x512xf32, #tpu.memory_space<hbm>>) dst(%dma_wait3A_393 : memref<80x512xf32, #tpu.memory_space<vmem>>)
    %add3A_399 = arith.constant 640 : i32
    %add3A_400 = arith.addi %mul3A_32, %add3A_399 : i32
    %dma_start3A_401 = arith.constant 0 : i32
    %dma_start3A_402 = arith.constant 0 : i32
    %dma_start3A_403 = tpu.memref_slice %arg8[%dma_start3A_401, %dma_start3A_402] : memref<80x512xf32, #tpu.memory_space<vmem>> -> memref<80x512xf32, #tpu.memory_space<vmem>>
    %dma_start3A_404 = arith.constant 0 : i32
    %dma_start3A_405 = tpu.memref_slice %arg4[%select_n3A, %add3A_400, %dma_start3A_404] : memref<4x8192x512xf32, #tpu.memory_space<hbm>> -> memref<1x80x512xf32, #tpu.memory_space<hbm>>
    %dma_start3A_406 = tpu.memref_squeeze %dma_start3A_405 : memref<1x80x512xf32, #tpu.memory_space<hbm>> -> memref<80x512xf32, #tpu.memory_space<hbm>>
    %dma_start3A_407 = arith.constant 0 : i32
    %dma_start3A_408 = tpu.memref_slice %arg4[%select_n3A, %add3A_400, %dma_start3A_407] : memref<4x8192x512xf32, #tpu.memory_space<hbm>> -> memref<1x80x512xf32, #tpu.memory_space<hbm>>
    %dma_start3A_409 = tpu.memref_squeeze %dma_start3A_408 : memref<1x80x512xf32, #tpu.memory_space<hbm>> -> memref<80x512xf32, #tpu.memory_space<hbm>>
    %dma_start3A_410 = arith.constant 0 : i32
    %dma_start3A_411 = arith.constant 0 : i32
    %dma_start3A_412 = tpu.memref_slice %arg8[%dma_start3A_410, %dma_start3A_411] : memref<80x512xf32, #tpu.memory_space<vmem>> -> memref<80x512xf32, #tpu.memory_space<vmem>>
    tpu.enqueue_dma source(%dma_start3A_412 : memref<80x512xf32, #tpu.memory_space<vmem>>) target(%dma_start3A_409 : memref<80x512xf32, #tpu.memory_space<hbm>>) target_semaphore(%arg14 : memref<!tpu.dma_semaphore, #tpu.memory_space<semaphore_mem>>)
    %dma_wait3A_413 = arith.constant 0 : i32
    %dma_wait3A_414 = arith.constant 0 : i32
    %dma_wait3A_415 = tpu.memref_slice %arg8[%dma_wait3A_413, %dma_wait3A_414] : memref<80x512xf32, #tpu.memory_space<vmem>> -> memref<80x512xf32, #tpu.memory_space<vmem>>
    %dma_wait3A_416 = arith.constant 0 : i32
    %dma_wait3A_417 = tpu.memref_slice %arg4[%select_n3A, %add3A_400, %dma_wait3A_416] : memref<4x8192x512xf32, #tpu.memory_space<hbm>> -> memref<1x80x512xf32, #tpu.memory_space<hbm>>
    %dma_wait3A_418 = tpu.memref_squeeze %dma_wait3A_417 : memref<1x80x512xf32, #tpu.memory_space<hbm>> -> memref<80x512xf32, #tpu.memory_space<hbm>>
    %dma_wait3A_419 = arith.constant 0 : i32
    %dma_wait3A_420 = tpu.memref_slice %arg4[%select_n3A, %add3A_400, %dma_wait3A_419] : memref<4x8192x512xf32, #tpu.memory_space<hbm>> -> memref<1x80x512xf32, #tpu.memory_space<hbm>>
    %dma_wait3A_421 = tpu.memref_squeeze %dma_wait3A_420 : memref<1x80x512xf32, #tpu.memory_space<hbm>> -> memref<80x512xf32, #tpu.memory_space<hbm>>
    %dma_wait3A_422 = arith.constant 0 : i32
    %dma_wait3A_423 = arith.constant 0 : i32
    %dma_wait3A_424 = tpu.memref_slice %arg8[%dma_wait3A_422, %dma_wait3A_423] : memref<80x512xf32, #tpu.memory_space<vmem>> -> memref<80x512xf32, #tpu.memory_space<vmem>>
    tpu.wait_dma2 semaphore(%arg14 : memref<!tpu.dma_semaphore, #tpu.memory_space<semaphore_mem>>) src(%dma_wait3A_424 : memref<80x512xf32, #tpu.memory_space<vmem>>) dst(%dma_wait3A_421 : memref<80x512xf32, #tpu.memory_space<hbm>>)
    %dma_start3A_425 = arith.constant 0 : i32
    %dma_start3A_426 = arith.constant 0 : i32
    %dma_start3A_427 = tpu.memref_slice %arg8[%dma_start3A_425, %dma_start3A_426] : memref<80x512xf32, #tpu.memory_space<vmem>> -> memref<80x512xf32, #tpu.memory_space<vmem>>
    %dma_start3A_428 = arith.constant 880 : i32
    %dma_start3A_429 = tpu.memref_slice %arg5[%dma_start3A_428] : memref<1024xi32, #tpu.memory_space<vmem>> -> memref<80xi32, #tpu.memory_space<vmem>>
    %dma_start3A_430 = arith.constant 0 : i32
    %dma_start3A_431 = arith.constant 0 : i32
    %dma_start3A_432 = tpu.memref_slice %arg3[%dma_start3A_430, %dma_start3A_431] : memref<50258x512xf32, #tpu.memory_space<hbm>> -> memref<50258x512xf32, #tpu.memory_space<hbm>>
    tpu.enqueue_indirect_dma source(%dma_start3A_432 : memref<50258x512xf32, #tpu.memory_space<hbm>>) target(%dma_start3A_427 : memref<80x512xf32, #tpu.memory_space<vmem>>) offsets(%dma_start3A_429 : memref<80xi32, #tpu.memory_space<vmem>>) semaphore(%arg11 : memref<!tpu.dma_semaphore, #tpu.memory_space<semaphore_mem>>)
    %dma_wait3A_433 = arith.constant 0 : i32
    %dma_wait3A_434 = arith.constant 0 : i32
    %dma_wait3A_435 = tpu.memref_slice %arg6[%dma_wait3A_433, %dma_wait3A_434] : memref<80x512xf32, #tpu.memory_space<vmem>> -> memref<80x512xf32, #tpu.memory_space<vmem>>
    %dma_wait3A_436 = arith.constant 720 : i32
    %dma_wait3A_437 = tpu.memref_slice %arg5[%dma_wait3A_436] : memref<1024xi32, #tpu.memory_space<vmem>> -> memref<80xi32, #tpu.memory_space<vmem>>
    %dma_wait3A_438 = arith.constant 0 : i32
    %dma_wait3A_439 = arith.constant 0 : i32
    %dma_wait3A_440 = tpu.memref_slice %arg3[%dma_wait3A_438, %dma_wait3A_439] : memref<50258x512xf32, #tpu.memory_space<hbm>> -> memref<50258x512xf32, #tpu.memory_space<hbm>>
    tpu.wait_indirect_dma semaphore(%arg9 : memref<!tpu.dma_semaphore, #tpu.memory_space<semaphore_mem>>) src(%dma_wait3A_440 : memref<50258x512xf32, #tpu.memory_space<hbm>>) dst(%dma_wait3A_435 : memref<80x512xf32, #tpu.memory_space<vmem>>)
    %add3A_441 = arith.constant 720 : i32
    %add3A_442 = arith.addi %mul3A_32, %add3A_441 : i32
    %dma_start3A_443 = arith.constant 0 : i32
    %dma_start3A_444 = arith.constant 0 : i32
    %dma_start3A_445 = tpu.memref_slice %arg6[%dma_start3A_443, %dma_start3A_444] : memref<80x512xf32, #tpu.memory_space<vmem>> -> memref<80x512xf32, #tpu.memory_space<vmem>>
    %dma_start3A_446 = arith.constant 0 : i32
    %dma_start3A_447 = tpu.memref_slice %arg4[%select_n3A, %add3A_442, %dma_start3A_446] : memref<4x8192x512xf32, #tpu.memory_space<hbm>> -> memref<1x80x512xf32, #tpu.memory_space<hbm>>
    %dma_start3A_448 = tpu.memref_squeeze %dma_start3A_447 : memref<1x80x512xf32, #tpu.memory_space<hbm>> -> memref<80x512xf32, #tpu.memory_space<hbm>>
    %dma_start3A_449 = arith.constant 0 : i32
    %dma_start3A_450 = tpu.memref_slice %arg4[%select_n3A, %add3A_442, %dma_start3A_449] : memref<4x8192x512xf32, #tpu.memory_space<hbm>> -> memref<1x80x512xf32, #tpu.memory_space<hbm>>
    %dma_start3A_451 = tpu.memref_squeeze %dma_start3A_450 : memref<1x80x512xf32, #tpu.memory_space<hbm>> -> memref<80x512xf32, #tpu.memory_space<hbm>>
    %dma_start3A_452 = arith.constant 0 : i32
    %dma_start3A_453 = arith.constant 0 : i32
    %dma_start3A_454 = tpu.memref_slice %arg6[%dma_start3A_452, %dma_start3A_453] : memref<80x512xf32, #tpu.memory_space<vmem>> -> memref<80x512xf32, #tpu.memory_space<vmem>>
    tpu.enqueue_dma source(%dma_start3A_454 : memref<80x512xf32, #tpu.memory_space<vmem>>) target(%dma_start3A_451 : memref<80x512xf32, #tpu.memory_space<hbm>>) target_semaphore(%arg12 : memref<!tpu.dma_semaphore, #tpu.memory_space<semaphore_mem>>)
    %dma_wait3A_455 = arith.constant 0 : i32
    %dma_wait3A_456 = arith.constant 0 : i32
    %dma_wait3A_457 = tpu.memref_slice %arg6[%dma_wait3A_455, %dma_wait3A_456] : memref<80x512xf32, #tpu.memory_space<vmem>> -> memref<80x512xf32, #tpu.memory_space<vmem>>
    %dma_wait3A_458 = arith.constant 0 : i32
    %dma_wait3A_459 = tpu.memref_slice %arg4[%select_n3A, %add3A_442, %dma_wait3A_458] : memref<4x8192x512xf32, #tpu.memory_space<hbm>> -> memref<1x80x512xf32, #tpu.memory_space<hbm>>
    %dma_wait3A_460 = tpu.memref_squeeze %dma_wait3A_459 : memref<1x80x512xf32, #tpu.memory_space<hbm>> -> memref<80x512xf32, #tpu.memory_space<hbm>>
    %dma_wait3A_461 = arith.constant 0 : i32
    %dma_wait3A_462 = tpu.memref_slice %arg4[%select_n3A, %add3A_442, %dma_wait3A_461] : memref<4x8192x512xf32, #tpu.memory_space<hbm>> -> memref<1x80x512xf32, #tpu.memory_space<hbm>>
    %dma_wait3A_463 = tpu.memref_squeeze %dma_wait3A_462 : memref<1x80x512xf32, #tpu.memory_space<hbm>> -> memref<80x512xf32, #tpu.memory_space<hbm>>
    %dma_wait3A_464 = arith.constant 0 : i32
    %dma_wait3A_465 = arith.constant 0 : i32
    %dma_wait3A_466 = tpu.memref_slice %arg6[%dma_wait3A_464, %dma_wait3A_465] : memref<80x512xf32, #tpu.memory_space<vmem>> -> memref<80x512xf32, #tpu.memory_space<vmem>>
    tpu.wait_dma2 semaphore(%arg12 : memref<!tpu.dma_semaphore, #tpu.memory_space<semaphore_mem>>) src(%dma_wait3A_466 : memref<80x512xf32, #tpu.memory_space<vmem>>) dst(%dma_wait3A_463 : memref<80x512xf32, #tpu.memory_space<hbm>>)
    %dma_start3A_467 = arith.constant 0 : i32
    %dma_start3A_468 = arith.constant 0 : i32
    %dma_start3A_469 = tpu.memref_slice %arg6[%dma_start3A_467, %dma_start3A_468] : memref<80x512xf32, #tpu.memory_space<vmem>> -> memref<64x512xf32, #tpu.memory_space<vmem>>
    %dma_start3A_470 = arith.constant 960 : i32
    %dma_start3A_471 = tpu.memref_slice %arg5[%dma_start3A_470] : memref<1024xi32, #tpu.memory_space<vmem>> -> memref<64xi32, #tpu.memory_space<vmem>>
    %dma_start3A_472 = arith.constant 0 : i32
    %dma_start3A_473 = arith.constant 0 : i32
    %dma_start3A_474 = tpu.memref_slice %arg3[%dma_start3A_472, %dma_start3A_473] : memref<50258x512xf32, #tpu.memory_space<hbm>> -> memref<50258x512xf32, #tpu.memory_space<hbm>>
    tpu.enqueue_indirect_dma source(%dma_start3A_474 : memref<50258x512xf32, #tpu.memory_space<hbm>>) target(%dma_start3A_469 : memref<64x512xf32, #tpu.memory_space<vmem>>) offsets(%dma_start3A_471 : memref<64xi32, #tpu.memory_space<vmem>>) semaphore(%arg9 : memref<!tpu.dma_semaphore, #tpu.memory_space<semaphore_mem>>)
    %dma_wait3A_475 = arith.constant 0 : i32
    %dma_wait3A_476 = arith.constant 0 : i32
    %dma_wait3A_477 = tpu.memref_slice %arg7[%dma_wait3A_475, %dma_wait3A_476] : memref<80x512xf32, #tpu.memory_space<vmem>> -> memref<80x512xf32, #tpu.memory_space<vmem>>
    %dma_wait3A_478 = arith.constant 800 : i32
    %dma_wait3A_479 = tpu.memref_slice %arg5[%dma_wait3A_478] : memref<1024xi32, #tpu.memory_space<vmem>> -> memref<80xi32, #tpu.memory_space<vmem>>
    %dma_wait3A_480 = arith.constant 0 : i32
    %dma_wait3A_481 = arith.constant 0 : i32
    %dma_wait3A_482 = tpu.memref_slice %arg3[%dma_wait3A_480, %dma_wait3A_481] : memref<50258x512xf32, #tpu.memory_space<hbm>> -> memref<50258x512xf32, #tpu.memory_space<hbm>>
    tpu.wait_indirect_dma semaphore(%arg10 : memref<!tpu.dma_semaphore, #tpu.memory_space<semaphore_mem>>) src(%dma_wait3A_482 : memref<50258x512xf32, #tpu.memory_space<hbm>>) dst(%dma_wait3A_477 : memref<80x512xf32, #tpu.memory_space<vmem>>)
    %add3A_483 = arith.constant 800 : i32
    %add3A_484 = arith.addi %mul3A_32, %add3A_483 : i32
    %dma_start3A_485 = arith.constant 0 : i32
    %dma_start3A_486 = arith.constant 0 : i32
    %dma_start3A_487 = tpu.memref_slice %arg7[%dma_start3A_485, %dma_start3A_486] : memref<80x512xf32, #tpu.memory_space<vmem>> -> memref<80x512xf32, #tpu.memory_space<vmem>>
    %dma_start3A_488 = arith.constant 0 : i32
    %dma_start3A_489 = tpu.memref_slice %arg4[%select_n3A, %add3A_484, %dma_start3A_488] : memref<4x8192x512xf32, #tpu.memory_space<hbm>> -> memref<1x80x512xf32, #tpu.memory_space<hbm>>
    %dma_start3A_490 = tpu.memref_squeeze %dma_start3A_489 : memref<1x80x512xf32, #tpu.memory_space<hbm>> -> memref<80x512xf32, #tpu.memory_space<hbm>>
    %dma_start3A_491 = arith.constant 0 : i32
    %dma_start3A_492 = tpu.memref_slice %arg4[%select_n3A, %add3A_484, %dma_start3A_491] : memref<4x8192x512xf32, #tpu.memory_space<hbm>> -> memref<1x80x512xf32, #tpu.memory_space<hbm>>
    %dma_start3A_493 = tpu.memref_squeeze %dma_start3A_492 : memref<1x80x512xf32, #tpu.memory_space<hbm>> -> memref<80x512xf32, #tpu.memory_space<hbm>>
    %dma_start3A_494 = arith.constant 0 : i32
    %dma_start3A_495 = arith.constant 0 : i32
    %dma_start3A_496 = tpu.memref_slice %arg7[%dma_start3A_494, %dma_start3A_495] : memref<80x512xf32, #tpu.memory_space<vmem>> -> memref<80x512xf32, #tpu.memory_space<vmem>>
    tpu.enqueue_dma source(%dma_start3A_496 : memref<80x512xf32, #tpu.memory_space<vmem>>) target(%dma_start3A_493 : memref<80x512xf32, #tpu.memory_space<hbm>>) target_semaphore(%arg13 : memref<!tpu.dma_semaphore, #tpu.memory_space<semaphore_mem>>)
    %dma_wait3A_497 = arith.constant 0 : i32
    %dma_wait3A_498 = arith.constant 0 : i32
    %dma_wait3A_499 = tpu.memref_slice %arg7[%dma_wait3A_497, %dma_wait3A_498] : memref<80x512xf32, #tpu.memory_space<vmem>> -> memref<80x512xf32, #tpu.memory_space<vmem>>
    %dma_wait3A_500 = arith.constant 0 : i32
    %dma_wait3A_501 = tpu.memref_slice %arg4[%select_n3A, %add3A_484, %dma_wait3A_500] : memref<4x8192x512xf32, #tpu.memory_space<hbm>> -> memref<1x80x512xf32, #tpu.memory_space<hbm>>
    %dma_wait3A_502 = tpu.memref_squeeze %dma_wait3A_501 : memref<1x80x512xf32, #tpu.memory_space<hbm>> -> memref<80x512xf32, #tpu.memory_space<hbm>>
    %dma_wait3A_503 = arith.constant 0 : i32
    %dma_wait3A_504 = tpu.memref_slice %arg4[%select_n3A, %add3A_484, %dma_wait3A_503] : memref<4x8192x512xf32, #tpu.memory_space<hbm>> -> memref<1x80x512xf32, #tpu.memory_space<hbm>>
    %dma_wait3A_505 = tpu.memref_squeeze %dma_wait3A_504 : memref<1x80x512xf32, #tpu.memory_space<hbm>> -> memref<80x512xf32, #tpu.memory_space<hbm>>
    %dma_wait3A_506 = arith.constant 0 : i32
    %dma_wait3A_507 = arith.constant 0 : i32
    %dma_wait3A_508 = tpu.memref_slice %arg7[%dma_wait3A_506, %dma_wait3A_507] : memref<80x512xf32, #tpu.memory_space<vmem>> -> memref<80x512xf32, #tpu.memory_space<vmem>>
    tpu.wait_dma2 semaphore(%arg13 : memref<!tpu.dma_semaphore, #tpu.memory_space<semaphore_mem>>) src(%dma_wait3A_508 : memref<80x512xf32, #tpu.memory_space<vmem>>) dst(%dma_wait3A_505 : memref<80x512xf32, #tpu.memory_space<hbm>>)
    %dma_wait3A_509 = arith.constant 0 : i32
    %dma_wait3A_510 = arith.constant 0 : i32
    %dma_wait3A_511 = tpu.memref_slice %arg8[%dma_wait3A_509, %dma_wait3A_510] : memref<80x512xf32, #tpu.memory_space<vmem>> -> memref<80x512xf32, #tpu.memory_space<vmem>>
    %dma_wait3A_512 = arith.constant 880 : i32
    %dma_wait3A_513 = tpu.memref_slice %arg5[%dma_wait3A_512] : memref<1024xi32, #tpu.memory_space<vmem>> -> memref<80xi32, #tpu.memory_space<vmem>>
    %dma_wait3A_514 = arith.constant 0 : i32
    %dma_wait3A_515 = arith.constant 0 : i32
    %dma_wait3A_516 = tpu.memref_slice %arg3[%dma_wait3A_514, %dma_wait3A_515] : memref<50258x512xf32, #tpu.memory_space<hbm>> -> memref<50258x512xf32, #tpu.memory_space<hbm>>
    tpu.wait_indirect_dma semaphore(%arg11 : memref<!tpu.dma_semaphore, #tpu.memory_space<semaphore_mem>>) src(%dma_wait3A_516 : memref<50258x512xf32, #tpu.memory_space<hbm>>) dst(%dma_wait3A_511 : memref<80x512xf32, #tpu.memory_space<vmem>>)
    %add3A_517 = arith.constant 880 : i32
    %add3A_518 = arith.addi %mul3A_32, %add3A_517 : i32
    %dma_start3A_519 = arith.constant 0 : i32
    %dma_start3A_520 = arith.constant 0 : i32
    %dma_start3A_521 = tpu.memref_slice %arg8[%dma_start3A_519, %dma_start3A_520] : memref<80x512xf32, #tpu.memory_space<vmem>> -> memref<80x512xf32, #tpu.memory_space<vmem>>
    %dma_start3A_522 = arith.constant 0 : i32
    %dma_start3A_523 = tpu.memref_slice %arg4[%select_n3A, %add3A_518, %dma_start3A_522] : memref<4x8192x512xf32, #tpu.memory_space<hbm>> -> memref<1x80x512xf32, #tpu.memory_space<hbm>>
    %dma_start3A_524 = tpu.memref_squeeze %dma_start3A_523 : memref<1x80x512xf32, #tpu.memory_space<hbm>> -> memref<80x512xf32, #tpu.memory_space<hbm>>
    %dma_start3A_525 = arith.constant 0 : i32
    %dma_start3A_526 = tpu.memref_slice %arg4[%select_n3A, %add3A_518, %dma_start3A_525] : memref<4x8192x512xf32, #tpu.memory_space<hbm>> -> memref<1x80x512xf32, #tpu.memory_space<hbm>>
    %dma_start3A_527 = tpu.memref_squeeze %dma_start3A_526 : memref<1x80x512xf32, #tpu.memory_space<hbm>> -> memref<80x512xf32, #tpu.memory_space<hbm>>
    %dma_start3A_528 = arith.constant 0 : i32
    %dma_start3A_529 = arith.constant 0 : i32
    %dma_start3A_530 = tpu.memref_slice %arg8[%dma_start3A_528, %dma_start3A_529] : memref<80x512xf32, #tpu.memory_space<vmem>> -> memref<80x512xf32, #tpu.memory_space<vmem>>
    tpu.enqueue_dma source(%dma_start3A_530 : memref<80x512xf32, #tpu.memory_space<vmem>>) target(%dma_start3A_527 : memref<80x512xf32, #tpu.memory_space<hbm>>) target_semaphore(%arg14 : memref<!tpu.dma_semaphore, #tpu.memory_space<semaphore_mem>>)
    %dma_wait3A_531 = arith.constant 0 : i32
    %dma_wait3A_532 = arith.constant 0 : i32
    %dma_wait3A_533 = tpu.memref_slice %arg8[%dma_wait3A_531, %dma_wait3A_532] : memref<80x512xf32, #tpu.memory_space<vmem>> -> memref<80x512xf32, #tpu.memory_space<vmem>>
    %dma_wait3A_534 = arith.constant 0 : i32
    %dma_wait3A_535 = tpu.memref_slice %arg4[%select_n3A, %add3A_518, %dma_wait3A_534] : memref<4x8192x512xf32, #tpu.memory_space<hbm>> -> memref<1x80x512xf32, #tpu.memory_space<hbm>>
    %dma_wait3A_536 = tpu.memref_squeeze %dma_wait3A_535 : memref<1x80x512xf32, #tpu.memory_space<hbm>> -> memref<80x512xf32, #tpu.memory_space<hbm>>
    %dma_wait3A_537 = arith.constant 0 : i32
    %dma_wait3A_538 = tpu.memref_slice %arg4[%select_n3A, %add3A_518, %dma_wait3A_537] : memref<4x8192x512xf32, #tpu.memory_space<hbm>> -> memref<1x80x512xf32, #tpu.memory_space<hbm>>
    %dma_wait3A_539 = tpu.memref_squeeze %dma_wait3A_538 : memref<1x80x512xf32, #tpu.memory_space<hbm>> -> memref<80x512xf32, #tpu.memory_space<hbm>>
    %dma_wait3A_540 = arith.constant 0 : i32
    %dma_wait3A_541 = arith.constant 0 : i32
    %dma_wait3A_542 = tpu.memref_slice %arg8[%dma_wait3A_540, %dma_wait3A_541] : memref<80x512xf32, #tpu.memory_space<vmem>> -> memref<80x512xf32, #tpu.memory_space<vmem>>
    tpu.wait_dma2 semaphore(%arg14 : memref<!tpu.dma_semaphore, #tpu.memory_space<semaphore_mem>>) src(%dma_wait3A_542 : memref<80x512xf32, #tpu.memory_space<vmem>>) dst(%dma_wait3A_539 : memref<80x512xf32, #tpu.memory_space<hbm>>)
    %dma_wait3A_543 = arith.constant 0 : i32
    %dma_wait3A_544 = arith.constant 0 : i32
    %dma_wait3A_545 = tpu.memref_slice %arg6[%dma_wait3A_543, %dma_wait3A_544] : memref<80x512xf32, #tpu.memory_space<vmem>> -> memref<64x512xf32, #tpu.memory_space<vmem>>
    %dma_wait3A_546 = arith.constant 960 : i32
    %dma_wait3A_547 = tpu.memref_slice %arg5[%dma_wait3A_546] : memref<1024xi32, #tpu.memory_space<vmem>> -> memref<64xi32, #tpu.memory_space<vmem>>
    %dma_wait3A_548 = arith.constant 0 : i32
    %dma_wait3A_549 = arith.constant 0 : i32
    %dma_wait3A_550 = tpu.memref_slice %arg3[%dma_wait3A_548, %dma_wait3A_549] : memref<50258x512xf32, #tpu.memory_space<hbm>> -> memref<50258x512xf32, #tpu.memory_space<hbm>>
    tpu.wait_indirect_dma semaphore(%arg9 : memref<!tpu.dma_semaphore, #tpu.memory_space<semaphore_mem>>) src(%dma_wait3A_550 : memref<50258x512xf32, #tpu.memory_space<hbm>>) dst(%dma_wait3A_545 : memref<64x512xf32, #tpu.memory_space<vmem>>)
    %add3A_551 = arith.constant 960 : i32
    %add3A_552 = arith.addi %mul3A_32, %add3A_551 : i32
    %dma_start3A_553 = arith.constant 0 : i32
    %dma_start3A_554 = arith.constant 0 : i32
    %dma_start3A_555 = tpu.memref_slice %arg6[%dma_start3A_553, %dma_start3A_554] : memref<80x512xf32, #tpu.memory_space<vmem>> -> memref<64x512xf32, #tpu.memory_space<vmem>>
    %dma_start3A_556 = arith.constant 0 : i32
    %dma_start3A_557 = tpu.memref_slice %arg4[%select_n3A, %add3A_552, %dma_start3A_556] : memref<4x8192x512xf32, #tpu.memory_space<hbm>> -> memref<1x64x512xf32, #tpu.memory_space<hbm>>
    %dma_start3A_558 = tpu.memref_squeeze %dma_start3A_557 : memref<1x64x512xf32, #tpu.memory_space<hbm>> -> memref<64x512xf32, #tpu.memory_space<hbm>>
    %dma_start3A_559 = arith.constant 0 : i32
    %dma_start3A_560 = tpu.memref_slice %arg4[%select_n3A, %add3A_552, %dma_start3A_559] : memref<4x8192x512xf32, #tpu.memory_space<hbm>> -> memref<1x64x512xf32, #tpu.memory_space<hbm>>
    %dma_start3A_561 = tpu.memref_squeeze %dma_start3A_560 : memref<1x64x512xf32, #tpu.memory_space<hbm>> -> memref<64x512xf32, #tpu.memory_space<hbm>>
    %dma_start3A_562 = arith.constant 0 : i32
    %dma_start3A_563 = arith.constant 0 : i32
    %dma_start3A_564 = tpu.memref_slice %arg6[%dma_start3A_562, %dma_start3A_563] : memref<80x512xf32, #tpu.memory_space<vmem>> -> memref<64x512xf32, #tpu.memory_space<vmem>>
    tpu.enqueue_dma source(%dma_start3A_564 : memref<64x512xf32, #tpu.memory_space<vmem>>) target(%dma_start3A_561 : memref<64x512xf32, #tpu.memory_space<hbm>>) target_semaphore(%arg12 : memref<!tpu.dma_semaphore, #tpu.memory_space<semaphore_mem>>)
    %dma_wait3A_565 = arith.constant 0 : i32
    %dma_wait3A_566 = arith.constant 0 : i32
    %dma_wait3A_567 = tpu.memref_slice %arg6[%dma_wait3A_565, %dma_wait3A_566] : memref<80x512xf32, #tpu.memory_space<vmem>> -> memref<64x512xf32, #tpu.memory_space<vmem>>
    %dma_wait3A_568 = arith.constant 0 : i32
    %dma_wait3A_569 = tpu.memref_slice %arg4[%select_n3A, %add3A_552, %dma_wait3A_568] : memref<4x8192x512xf32, #tpu.memory_space<hbm>> -> memref<1x64x512xf32, #tpu.memory_space<hbm>>
    %dma_wait3A_570 = tpu.memref_squeeze %dma_wait3A_569 : memref<1x64x512xf32, #tpu.memory_space<hbm>> -> memref<64x512xf32, #tpu.memory_space<hbm>>
    %dma_wait3A_571 = arith.constant 0 : i32
    %dma_wait3A_572 = tpu.memref_slice %arg4[%select_n3A, %add3A_552, %dma_wait3A_571] : memref<4x8192x512xf32, #tpu.memory_space<hbm>> -> memref<1x64x512xf32, #tpu.memory_space<hbm>>
    %dma_wait3A_573 = tpu.memref_squeeze %dma_wait3A_572 : memref<1x64x512xf32, #tpu.memory_space<hbm>> -> memref<64x512xf32, #tpu.memory_space<hbm>>
    %dma_wait3A_574 = arith.constant 0 : i32
    %dma_wait3A_575 = arith.constant 0 : i32
    %dma_wait3A_576 = tpu.memref_slice %arg6[%dma_wait3A_574, %dma_wait3A_575] : memref<80x512xf32, #tpu.memory_space<vmem>> -> memref<64x512xf32, #tpu.memory_space<vmem>>
    tpu.wait_dma2 semaphore(%arg12 : memref<!tpu.dma_semaphore, #tpu.memory_space<semaphore_mem>>) src(%dma_wait3A_576 : memref<64x512xf32, #tpu.memory_space<vmem>>) dst(%dma_wait3A_573 : memref<64x512xf32, #tpu.memory_space<hbm>>)
    return
  }
}

</mosaic_0001>

<sc_bundles>
// kernel: kernel.3.cloned.1.call-start
scs
__scs_entry_jumppad:
0x0: {  	(pc) =	sbr.rel $0x88, $3  }
0x1: {  	(tag) =	ssettag $0x0;
	lr =	simm.s32 $0x1  }
0x2: {  	[smem:$0x3F9F] =	sst lr;
	_ =	strace $0xD0000000  }
0x3: {  	_ = 	snop  }
0x4: {  	_ = 	snop  }
0x5: {  	_ = 	snop  }
0x6: {  	_ = 	snop  }
0x7: {  	_ = 	snop  }
__scs_overlays_trampoline_lowered:
0x8: {  	[smem:$0x3FAE] =	sst s0  }
0x9: {  	[smem:$0x3FAF] =	sst s1  }
0xa: {  	[smem:$0x3FB0] =	sst s2  }
0xb: {  	[smem:$0x3FB1] =	sst s3  }
0xc: {  	[smem:$0x3FB2] =	sst s4  }
0xd: {  	[smem:$0x3FB3] =	sst s5  }
0xe: {  	[smem:$0x3FB4] =	sst s6  }
0xf: {  	[smem:$0x3FB5] =	sst s7  }
0x10: {  	[smem:$0x3FB6] =	sst s8  }
0x11: {  	[smem:$0x3FB7] =	sst s9;
	s0 =	simm.s32 @!p0 $0x0  }
0x12: {  	s1 =	sld [smem:$0x3F9D];
	s0 =	simm.s32 @p0 $0x1  }
0x13: {  	[smem:$0x3FB8] =	sst s0;
	s0 =	simm.s32 @!p1 $0x0  }
0x14: {  	s2 =	sld [smem:$0x3F9C];
	s0 =	simm.s32 @p1 $0x1  }
0x15: {  	[smem:$0x3FB9] =	sst s0;
	s0 =	simm.s32 @!p2 $0x0  }
0x16: {  	s3 =	sld [smem:$0x3FDB];
	s0 =	simm.s32 @p2 $0x1  }
0x17: {  	s4 =	simm.s32 $0x1BF5;
	[smem:$0x3FBB] =	sst s0  }
0x18: {  	s0 =	sld [smem:$0x3F9E];
	_ =	swait.ge [sflag:s4], $0x0  }
0x19: {  	s7 =	sld [smem:$0x3F9F]  }
0x1a: {  	s8 =	sadd.s32 $0xFFFFE003, lr  }
0x1b: {  	s9 =	sadd.s32 $0xFFFFFEF7, lr;
	s5 =	simm.s32 $0xFFFFFFFF;
	p2 =	slt.u32 s8, $0xFFFFF086  }
0x1c: {  	p1 =	slt.u32 s9, $0xF7A;
	s5 =	simm.s32 @!p2 $0x0  }
0x1d: {  	s5 =	simm.s32 @p1 $0x1;
	p0 =	seq.s32 s7, s2  }
0x1e: {  	s7 =	smul.u32 @!p0 $0xF7A, s2;
	p2 =	seq.s32 @!p0 s5, $0x0  }
0x1f: {  	s9 =	smul.u32 $0xF7A, s1;
	s8 =	simm.s32 @!p0 $0x1BF5;
	p2 =	por !p2, p0  }
0x20: {  	[sflag:s8] =	ssyncset.s32 @!p0 $0xFFFFF086;
	s6 =	sadd.s32 @!p0 s3, s7;
	s7 =	simm.s32 @!p0 $0x108  }
0x21: {  	s3 =	sadd.s32 s3, s9;
	s6 =	sadd.s32 @!p0 $0x88, s6;
	s7 =	simm.s32 @p2 $0x1082  }
0x22: {  	[simem:s7], [sflag:s8] =	dma.local @!p0 [hbm:s6], $0xF7A  }
0x23: {  	s9 =	sor.u32 $0xD0000000, s2;
	s6 =	simm.s32 $0x108;
	_ =	swait.ge @!p0 [sflag:s8], $0x0  }
0x24: {  	s3 =	sadd.s32 $0x88, s3;
	s6 =	simm.s32 @!p1 $0x1082;
	[sflag:s4] =	ssyncset.s32 $0xFFFFF086  }
0x25: {  	[simem:s6], [sflag:s4] =	dma.local [hbm:s3], $0xF7A  }
0x26: {  	[smem:$0x3F9F] =	sst s1;
	(tag) =	ssettag s2;
	_ =	strace s9  }
0x27: {  	s1 =	sld [smem:$0x3FAF]  }
0x28: {  	s2 =	sld [smem:$0x3FB0]  }
0x29: {  	s4 =	sld [smem:$0x3FB2]  }
0x2a: {  	p0 =	seq.s32 s5, $0x0;
	s5 =	sld [smem:$0x3FB3]  }
0x2b: {  	s6 =	sld [smem:$0x3FB4]  }
0x2c: {  	s7 =	sld [smem:$0x3FB5]  }
0x2d: {  	s3 =	simm.s32 $0x108;
	s8 =	sld [smem:$0x3FB6]  }
0x2e: {  	s3 =	simm.s32 @!p0 $0x1082;
	s9 =	sld [smem:$0x3FB7]  }
0x2f: {  	lr =	sadd.s32 s0, s3;
	s0 =	sld [smem:$0x3FAE]  }
0x30: {  	s3 =	sld [smem:$0x3FB1]  }
0x31: {  	[smem:$0x3FBA] =	sst s10  }
0x32: {  	s10 =	sld [smem:$0x3FB8];
	_ =	sdelay $0x3  }
0x33: {  	p0 =	seq.s32 s10, $0x1;
	s10 =	sld [smem:$0x3FBA];
	_ =	sdelay $0x3  }
0x34: {  	[smem:$0x3FBA] =	sst s10  }
0x35: {  	s10 =	sld [smem:$0x3FB9];
	_ =	sdelay $0x3  }
0x36: {  	p1 =	seq.s32 s10, $0x1;
	s10 =	sld [smem:$0x3FBA];
	_ =	sdelay $0x3  }
0x37: {  	[smem:$0x3FBA] =	sst s10  }
0x38: {  	s10 =	sld [smem:$0x3FBB]  }
0x39: {  	_ = 	snop;
	(pc) =	sbr.ind lr, $3  }
0x3a: {  	_ = 	snop  }
0x3b: {  	_ = 	snop  }
0x3c: {  	p2 =	seq.s32 s10, $0x1;
	s10 =	sld [smem:$0x3FBA]  }
0x3d: {  	_ =	shalt  }
0x3e: {  	_ =	shalt  }
0x3f: {  	_ =	shalt  }
0x40: {  	_ =	shalt  }
0x41: {  	_ =	shalt  }
0x42: {  	_ =	shalt  }
0x43: {  	_ =	shalt  }
0x44: {  	_ =	shalt  }
0x45: {  	_ =	shalt  }
0x46: {  	_ =	shalt  }
0x47: {  	_ =	shalt  }
0x48: {  	_ =	shalt  }
0x49: {  	_ =	shalt  }
0x4a: {  	_ =	shalt  }
0x4b: {  	_ =	shalt  }
0x4c: {  	_ =	shalt  }
0x4d: {  	_ =	shalt  }
0x4e: {  	_ =	shalt  }
0x4f: {  	_ =	shalt  }
0x50: {  	_ =	shalt  }
0x51: {  	_ =	shalt  }
0x52: {  	_ =	shalt  }
0x53: {  	_ =	shalt  }
0x54: {  	_ =	shalt  }
0x55: {  	_ =	shalt  }
0x56: {  	_ =	shalt  }
0x57: {  	_ =	shalt  }
0x58: {  	_ =	shalt  }
0x59: {  	_ =	shalt  }
0x5a: {  	_ =	shalt  }
0x5b: {  	_ =	shalt  }
0x5c: {  	_ =	shalt  }
0x5d: {  	_ =	shalt  }
0x5e: {  	_ =	shalt  }
0x5f: {  	_ =	shalt  }
0x60: {  	_ =	shalt  }
0x61: {  	_ =	shalt  }
0x62: {  	_ =	shalt  }
0x63: {  	_ =	shalt  }
0x64: {  	_ =	shalt  }
0x65: {  	_ =	shalt  }
0x66: {  	_ =	shalt  }
0x67: {  	_ =	shalt  }
0x68: {  	_ =	shalt  }
0x69: {  	_ =	shalt  }
0x6a: {  	_ =	shalt  }
0x6b: {  	_ =	shalt  }
0x6c: {  	_ =	shalt  }
0x6d: {  	_ =	shalt  }
0x6e: {  	_ =	shalt  }
0x6f: {  	_ =	shalt  }
0x70: {  	_ =	shalt  }
0x71: {  	_ =	shalt  }
0x72: {  	_ =	shalt  }
0x73: {  	_ =	shalt  }
0x74: {  	_ =	shalt  }
0x75: {  	_ =	shalt  }
0x76: {  	_ =	shalt  }
0x77: {  	_ =	shalt  }
0x78: {  	_ =	shalt  }
0x79: {  	_ =	shalt  }
0x7a: {  	_ =	shalt  }
0x7b: {  	_ =	shalt  }
0x7c: {  	_ =	shalt  }
0x7d: {  	_ =	shalt  }
0x7e: {  	_ =	shalt  }
0x7f: {  	_ =	shalt  }
0x80: {  	_ =	shalt  }
0x81: {  	_ =	shalt  }
0x82: {  	_ =	shalt  }
0x83: {  	_ =	shalt  }
0x84: {  	_ =	shalt  }
0x85: {  	_ =	shalt  }
0x86: {  	_ =	shalt  }
0x87: {  	_ =	shalt  }
.Lfunc_end0:
.L_simem_size_0:
called_computation_lowered:
.L_overlay_start_0:
0x88: {  	s2 =	sld [smem:$0x3FD9]  }
0x89: {  	s3 =	sld [smem:$0x3FFE];
	_ =	sdelay $0x1  }
0x8a: {  	s1 =	srdreg.scid  }
0x8b: {  	s0 =	sand.u32 $0x1, s1  }
0x8c: {  	s18 =	sshll.u32 s0, $0xA;
	s2 =	sadd.s32 s3, s2  }
0x8d: {  	s2 =	sadd.s32 s2, s18  }
0x8e: {  	[smem:$0x3FC6] =	sst s2  }
0x8f: {  	_ = 	snop  }
0x90: {  	s2 =	sld [smem:$0x3FC9]  }
0x91: {  	s19 =	sld [smem:$0x3FC8]  }
0x92: {  	s4 =	sld [smem:$0x3FD0];
	(tm) =	ssettm $0x1  }
0x93: {  	s5 =	sld [smem:$0x3FFB];
	_ =	sdelay $0x3  }
0x94: {  	_ =	strace s5  }
0x95: {  	s5 =	sld [smem:$0x3FFC];
	_ =	sdelay $0x3  }
0x96: {  	_ =	strace s5  }
0x97: {  	s5 =	sld [smem:$0x3FFD];
	_ =	sdelay $0x3  }
0x98: {  	_ =	strace s5  }
0x99: {  	_ =	strace $0x8FFFFFFF  }
0x9a: {  	s20 =	sld [smem:$0x3FDB];
	_ =	sdelay $0x1  }
0x9b: {  	s6 =	simm.s32 $_scs_section_size  }
0x9c: {  	s7 =	simm.s32 $_size__tile_overlayer_lowered;
	s8 =	simm.s32 $_tile_overlayer_lowered  }
0x9d: {  	s23 =	simm.s32 $0x1BFF;
	s22 =	sshll.u32 s8, $0x1;
	s5 =	sadd.s32 s6, s20  }
0x9e: {  	s9 =	simm.s32 $0x0;
	s21 =	sshll.u32 s7, $0x1;
	s7 =	sadd.s32 s22, s5  }
0x9f: {  	[timem:s9], [sflag:s23] =	dma.local [hbm:s7], s21  }
0xa0: {  	_ =	swait.ge [sflag:s23], s21  }
0xa1: {  	s6 =	ssub.s32 $0x0, s21;
	[sflag:s23] =	ssyncset.done $0x0  }
0xa2: {  	[sflag:s23] =	ssyncadd.s32 s6;
	_ =	sdelay $0x1  }
0xa3: {  	s24 =	simm.s32 $0x1B8B  }
0xa4: {  	_ =	swait.ge [sflag:s24], $0x1  }
0xa5: {  	[sflag:s24] =	ssyncset.done $0x0  }
0xa6: {  	s25 =	simm.s32 $0x1B8E;
	[sflag:s24] =	ssyncadd.s32 $0xFFFFFFFF  }
0xa7: {  	s26 =	simm.s32 $execute0_lowered;
	[smem:$0x3FD2] =	sst s25  }
0xa8: {  	s6 =	sshll.u32 s26, $0x1;
	_ =	strace $0x80000046;
	[dreg:$0x1] =	wrdreg $0xFFFFFFFF  }
0xa9: {  	s28 =	simm.s32 $_size_execute0_lowered;
	s5 =	sadd.s32 s5, s6;
	[dreg:$0x0] =	wrdreg $0x0  }
0xaa: {  	s6 =	sshll.u32 s28, $0x1;
	[dreg:$0x2] =	wrdreg s5  }
0xab: {  	[dreg:$0x3] =	wrdreg s6  }
0xac: {  	[dreg:$0x4] =	wrdreg $0xC0  }
0xad: {  	_ =	task [dreg:s9], $0x5FFFF  }
0xae: {  	[dreg:$0x1] =	wrdreg $0xFFFFFFFF  }
0xaf: {  	[dreg:$0x0] =	wrdreg $0x60  }
0xb0: {  	[dreg:$0x2] =	wrdreg s2  }
0xb1: {  	[dreg:$0x3] =	wrdreg s19  }
0xb2: {  	[dreg:$0x4] =	wrdreg s4  }
0xb3: {  	[dreg:$0x5] =	wrdreg $0x9  }
0xb4: {  	_ =	task.clear_ibuf [dreg:s9], $0x6FFFF;
	_ =	strace $0x90000046  }
0xb5: {  	s29 =	simm.s32 $0x9;
	_ =	strace $0x80000048  }
0xb6: {  	_ =	swait.ge [sflag:s29], $0x1  }
0xb7: {  	[sflag:s29] =	ssyncadd.s32 $0xFFFFFFFF  }
0xb8: {  	_ =	strace $0x90000048  }
0xb9: {  	_ =	sfence  }
0xba: {  	s30 =	sld [smem:$0x0];
	_ =	sdelay $0x2  }
0xbb: {  	s31 =	sshll.u32 s1, $0xD;
	s1 =	sshrl.u32 s1, $0x2  }
0xbc: {  	s3 =	sand.u32 $0x4000, s31;
	s1 =	sadd.s32 s1, s30  }
0xbd: {  	s0 =	sor.u32 s3, s0;
	s1 =	sshll.u32 s1, $0x11  }
0xbe: {  	s0 =	sor.u32 s1, s0  }
0xbf: {  	s0 =	sadd.s32 $0x8F2B, s0  }
0xc0: {  	[sflag:s0] =	ssyncadd.remote.s32 $0x1  }
0xc1: {  	_ =	sfence.sel $0xFFFF  }
0xc2: {  	[dreg:$0x0] =	wrdreg $0xFFFFFFFF;
	(pc) =	sbr.abs _section_cstart, $3  }
0xc3: {  	[dreg:$0x1] =	wrdreg $0xFFFFFFFF  }
0xc4: {  	_ =	task.clear_ibuf [dreg:s9], $0x2FFFF;
	_ =	strace $0x9FFFFFFF  }
0xc5: {  	(tm) =	ssettm $0x7FFFFFFF  }
tec
execute0_lowered:
.L_overlay_start_1:
0x0: {  	(tag) =	ssettag $0x1  }
0x1: {  	s0 =	rddreg [dreg:$0x0]  }
0x2: {  	s2 =	rddreg [dreg:$0x1]  }
0x3: {  	s1 =	rddreg [dreg:$0x2]  }
0x4: {  	s6 =	stileid.u32;
	s4 =	srdreg.scid;
	s3 =	simm.s32 $0x0  }
0x5: {  	s29 =	simm.s32 $0x80;
	s30 =	simm.s32 $0x200;
	s5 =	sshll.u32 s6, $0x1  }
0x6: {  	s4 =	sand.u32 $0x1, s4;
	[smem:$0x7FF] =	sst s3;
	s6 =	sshrl.u32 s6, $0x2  }
0x7: {  	s5 =	sand.u32 $0x6, s5;
	s8 =	sshll.u32 s6, $0x4;
	s6 =	sshll.u32 s6, $0x13  }
0x8: {  	_ =	strace $0x80000047;
	[dreg:$0x11] =	wrdreg s29;
	s5 =	sor.u32 s4, s5  }
0x9: {  	s0 =	sadd.s32 s0, s8;
	s7 =	sshll.u32 s5, $0x10;
	s5 =	sshll.u32 s5, $0x9  }
0xa: {  	[dreg:$0x12] =	wrdreg s30;
	s6 =	sor.u32 s6, s7;
	s0 =	sadd.s32 s5, s0  }
0xb: {  	s14 =	sadd.s32 s1, s6;
	[dreg:$0x4] =	wrdreg s0  }
0xc: {  	s15 =	sadd.s32 $0x1400, s14;
	[dreg:$0x13] =	wrdreg s14  }
0xd: {  	s16 =	sadd.s32 $0x2800, s14;
	[dreg:$0x5] =	wrdreg s15  }
0xe: {  	s17 =	sadd.s32 $0x3C00, s14;
	[dreg:$0x6] =	wrdreg s16  }
0xf: {  	s31 =	simm.s32 $0x1;
	s18 =	sadd.s32 $0x5000, s14;
	[dreg:$0x7] =	wrdreg s17  }
0x10: {  	s10 =	simm.s32 $0x2;
	s19 =	sadd.s32 $0x6400, s14;
	[dreg:$0x8] =	wrdreg s18  }
0x11: {  	s25 =	ssub.s32 $0x2, s4;
	s20 =	sadd.s32 $0x7800, s14;
	[dreg:$0x9] =	wrdreg s19  }
0x12: {  	s4 =	sshrl.u32 s25, $0x1;
	s21 =	sadd.s32 $0x8C00, s14;
	[dreg:$0xa] =	wrdreg s20  }
0x13: {  	s5 =	sadd.s32 $0x100, s2;
	s22 =	sadd.s32 $0xA000, s14;
	[dreg:$0xb] =	wrdreg s21  }
0x14: {  	s7 =	simm.s32 $0x3;
	s23 =	sadd.s32 $0xB400, s14;
	[dreg:$0xc] =	wrdreg s22  }
0x15: {  	s1 =	ssub.s32 s25, s4;
	s24 =	sadd.s32 $0xC800, s14;
	[dreg:$0xd] =	wrdreg s23  }
0x16: {  	v2 =	vlaneseq.u32;
	s0 =	simm.s32 $0x4;
	s26 =	sadd.s32 $0xDC00, s14;
	[dreg:$0xe] =	wrdreg s24  }
0x17: {  	vm0 =	vmmov $0xffff;
	v1 =	vshrl.u32 v2, $0x3;
	s4 =	simm.s32 $0x5;
	s28 =	sadd.s32 $0xF000, s14;
	[dreg:$0xf] =	wrdreg s26  }
0x18: {  	v0 =	vand.u32 $0x7, v2;
	v2 =	vor.u32 $0x8, v2;
	v1 =	vmul.u32 $0x8, v1;
	s6 =	smax.u32 s1, $0x1;
	[dreg:$0x10] =	wrdreg s28;
	s24 =	simm.s32 $0x6  }
.LBB2_1:
0x19: {  	s25 =	rddreg [dreg:$0x4]  }
0x1a: {  	s26 =	rddreg [dreg:$0x11]  }
0x1b: {  	s30 =	rddreg [dreg:$0x12]  }
0x1c: {  	[tilespmem:s3], [sflag:$0x7] =	stream.strided.gather [hbm4b:s25+s26], $0x400, s30, s26, $0x38;
	[tilespmem:$0x1E400] =	vst v63  }
0x1d: {  	s30 =	simm.s32 $0x7  }
0x1e: {  	_ =	swait.ge [sflag:s30], $0x400  }
0x1f: {  	[sflag:s30] =	ssyncset.done $0x0  }
0x20: {  	[sflag:s30] =	ssyncadd.s32 $0xFFFFFC00  }
0x21: {  	v3 =	vld [tilespmem:$0x0];
	_ =	sdelay $0x4  }
0x22: {  	v4 =	vshll.u32 v3, $0x2  }
0x23: {  	v3 =	vand.u32 $0x7, v3;
	v4 =	vand.u32 $0xFFFFFFE0, v4  }
0x24: {  	v3 =	vor.u32 v3, v4  }
0x25: {  	v4 =	vperm.xlane v3, v0;
	_ =	sdelay $0x1  }
0x26: {  	v4 =	vadd.s32 v1, v4;
	_ =	sdelay $0x1  }
0x27: {  	v3 =	vperm.xlane v3, v2;
	_ =	sdelay $0x1  }
0x28: {  	s8 =	simm.s32 $0x400;
	v3 =	vadd.s32 v1, v3  }
0x29: {  	[tilespmem:s8], [sflag:$0x1] =	stream.indirect_vreg.gather [hbm4b:s2+s3], $0x80, v4, vm0, $0xb8;
	[tilespmem:$0x1E400] =	vst v63  }
0x2a: {  	s9 =	simm.s32 $0xC00  }
0x2b: {  	[tilespmem:s9], [sflag:$0x1] =	stream.indirect_vreg.gather [hbm4b:s5+s3], $0x80, v4, vm0, $0xb8;
	[tilespmem:$0x1E400] =	vst v63  }
0x2c: {  	s1 =	simm.s32 $0x1400  }
0x2d: {  	[tilespmem:s1], [sflag:$0x1] =	stream.indirect_vreg.gather [hbm4b:s2+s3], $0x80, v3, vm0, $0xb8;
	[tilespmem:$0x1E400] =	vst v63  }
0x2e: {  	s8 =	simm.s32 $0x1C00  }
0x2f: {  	[tilespmem:s8], [sflag:$0x1] =	stream.indirect_vreg.gather [hbm4b:s5+s3], $0x80, v3, vm0, $0xb8;
	[tilespmem:$0x1E400] =	vst v63  }
0x30: {  	v3 =	vld [tilespmem:$0x10];
	_ =	sdelay $0x4  }
0x31: {  	v57 =	vshll.u32 v3, $0x2  }
0x32: {  	v3 =	vand.u32 $0x7, v3;
	v4 =	vand.u32 $0xFFFFFFE0, v57  }
0x33: {  	v3 =	vor.u32 v3, v4  }
0x34: {  	v4 =	vperm.xlane v3, v0;
	_ =	sdelay $0x1  }
0x35: {  	v4 =	vadd.s32 v1, v4;
	_ =	sdelay $0x1  }
0x36: {  	v3 =	vperm.xlane v3, v2;
	_ =	sdelay $0x1  }
0x37: {  	s11 =	simm.s32 $0x2400;
	v3 =	vadd.s32 v1, v3  }
0x38: {  	[tilespmem:s11], [sflag:$0x1] =	stream.indirect_vreg.gather [hbm4b:s2+s3], $0x80, v4, vm0, $0xb8;
	[tilespmem:$0x1E400] =	vst v63  }
0x39: {  	s13 =	simm.s32 $0x2C00  }
0x3a: {  	[tilespmem:s13], [sflag:$0x1] =	stream.indirect_vreg.gather [hbm4b:s5+s3], $0x80, v4, vm0, $0xb8;
	[tilespmem:$0x1E400] =	vst v63  }
0x3b: {  	s14 =	simm.s32 $0x3400  }
0x3c: {  	[tilespmem:s14], [sflag:$0x1] =	stream.indirect_vreg.gather [hbm4b:s2+s3], $0x80, v3, vm0, $0xb8;
	[tilespmem:$0x1E400] =	vst v63  }
0x3d: {  	s15 =	simm.s32 $0x3C00  }
0x3e: {  	[tilespmem:s15], [sflag:$0x1] =	stream.indirect_vreg.gather [hbm4b:s5+s3], $0x80, v3, vm0, $0xb8;
	[tilespmem:$0x1E400] =	vst v63  }
0x3f: {  	v3 =	vld [tilespmem:$0x20];
	_ =	sdelay $0x4  }
0x40: {  	v58 =	vshll.u32 v3, $0x2  }
0x41: {  	v3 =	vand.u32 $0x7, v3;
	v4 =	vand.u32 $0xFFFFFFE0, v58  }
0x42: {  	v3 =	vor.u32 v3, v4  }
0x43: {  	v4 =	vperm.xlane v3, v0;
	_ =	sdelay $0x1  }
0x44: {  	v4 =	vadd.s32 v1, v4;
	_ =	sdelay $0x1  }
0x45: {  	v3 =	vperm.xlane v3, v2;
	_ =	sdelay $0x1  }
0x46: {  	s16 =	simm.s32 $0x4400;
	v3 =	vadd.s32 v1, v3  }
0x47: {  	[tilespmem:s16], [sflag:$0x1] =	stream.indirect_vreg.gather [hbm4b:s2+s3], $0x80, v4, vm0, $0xb8;
	[tilespmem:$0x1E400] =	vst v63  }
0x48: {  	s17 =	simm.s32 $0x4C00  }
0x49: {  	[tilespmem:s17], [sflag:$0x1] =	stream.indirect_vreg.gather [hbm4b:s5+s3], $0x80, v4, vm0, $0xb8;
	[tilespmem:$0x1E400] =	vst v63  }
0x4a: {  	s18 =	simm.s32 $0x5400  }
0x4b: {  	[tilespmem:s18], [sflag:$0x1] =	stream.indirect_vreg.gather [hbm4b:s2+s3], $0x80, v3, vm0, $0xb8;
	[tilespmem:$0x1E400] =	vst v63  }
0x4c: {  	s19 =	simm.s32 $0x5C00  }
0x4d: {  	[tilespmem:s19], [sflag:$0x1] =	stream.indirect_vreg.gather [hbm4b:s5+s3], $0x80, v3, vm0, $0xb8;
	[tilespmem:$0x1E400] =	vst v63  }
0x4e: {  	v3 =	vld [tilespmem:$0x30];
	_ =	sdelay $0x4  }
0x4f: {  	v59 =	vshll.u32 v3, $0x2  }
0x50: {  	v3 =	vand.u32 $0x7, v3;
	v4 =	vand.u32 $0xFFFFFFE0, v59  }
0x51: {  	v3 =	vor.u32 v3, v4  }
0x52: {  	v4 =	vperm.xlane v3, v0;
	_ =	sdelay $0x1  }
0x53: {  	v4 =	vadd.s32 v1, v4;
	_ =	sdelay $0x1  }
0x54: {  	v3 =	vperm.xlane v3, v2;
	_ =	sdelay $0x1  }
0x55: {  	s20 =	simm.s32 $0x6400;
	v3 =	vadd.s32 v1, v3  }
0x56: {  	[tilespmem:s20], [sflag:$0x1] =	stream.indirect_vreg.gather [hbm4b:s2+s3], $0x80, v4, vm0, $0xb8;
	[tilespmem:$0x1E400] =	vst v63  }
0x57: {  	s21 =	simm.s32 $0x6C00  }
0x58: {  	[tilespmem:s21], [sflag:$0x1] =	stream.indirect_vreg.gather [hbm4b:s5+s3], $0x80, v4, vm0, $0xb8;
	[tilespmem:$0x1E400] =	vst v63  }
0x59: {  	s22 =	simm.s32 $0x7400  }
0x5a: {  	[tilespmem:s22], [sflag:$0x1] =	stream.indirect_vreg.gather [hbm4b:s2+s3], $0x80, v3, vm0, $0xb8;
	[tilespmem:$0x1E400] =	vst v63  }
0x5b: {  	s23 =	simm.s32 $0x7C00  }
0x5c: {  	[tilespmem:s23], [sflag:$0x1] =	stream.indirect_vreg.gather [hbm4b:s5+s3], $0x80, v3, vm0, $0xb8;
	[tilespmem:$0x1E400] =	vst v63  }
0x5d: {  	v3 =	vld [tilespmem:$0x40];
	_ =	sdelay $0x4  }
0x5e: {  	v60 =	vshll.u32 v3, $0x2  }
0x5f: {  	v3 =	vand.u32 $0x7, v3;
	v4 =	vand.u32 $0xFFFFFFE0, v60  }
0x60: {  	v3 =	vor.u32 v3, v4  }
0x61: {  	v4 =	vperm.xlane v3, v0;
	_ =	sdelay $0x1  }
0x62: {  	v4 =	vadd.s32 v1, v4;
	_ =	sdelay $0x1  }
0x63: {  	v3 =	vperm.xlane v3, v2;
	_ =	sdelay $0x1  }
0x64: {  	s25 =	simm.s32 $0x8400;
	v3 =	vadd.s32 v1, v3  }
0x65: {  	[tilespmem:s25], [sflag:$0x1] =	stream.indirect_vreg.gather [hbm4b:s2+s3], $0x80, v4, vm0, $0xb8;
	[tilespmem:$0x1E400] =	vst v63  }
0x66: {  	s26 =	simm.s32 $0x8C00  }
0x67: {  	[tilespmem:s26], [sflag:$0x1] =	stream.indirect_vreg.gather [hbm4b:s5+s3], $0x80, v4, vm0, $0xb8;
	[tilespmem:$0x1E400] =	vst v63  }
0x68: {  	s28 =	simm.s32 $0x9400  }
0x69: {  	[tilespmem:s28], [sflag:$0x1] =	stream.indirect_vreg.gather [hbm4b:s2+s3], $0x80, v3, vm0, $0xb8;
	[tilespmem:$0x1E400] =	vst v63  }
0x6a: {  	s29 =	simm.s32 $0x9C00  }
0x6b: {  	[tilespmem:s29], [sflag:$0x1] =	stream.indirect_vreg.gather [hbm4b:s5+s3], $0x80, v3, vm0, $0xb8;
	[tilespmem:$0x1E400] =	vst v63  }
0x6c: {  	v3 =	vld [tilespmem:$0x50];
	_ =	sdelay $0x4  }
0x6d: {  	v61 =	vshll.u32 v3, $0x2  }
0x6e: {  	v3 =	vand.u32 $0x7, v3;
	v4 =	vand.u32 $0xFFFFFFE0, v61  }
0x6f: {  	v3 =	vor.u32 v3, v4  }
0x70: {  	v4 =	vperm.xlane v3, v0;
	_ =	sdelay $0x1  }
0x71: {  	v4 =	vadd.s32 v1, v4;
	_ =	sdelay $0x1  }
0x72: {  	v3 =	vperm.xlane v3, v2;
	_ =	sdelay $0x1  }
0x73: {  	s30 =	simm.s32 $0xA400;
	v3 =	vadd.s32 v1, v3  }
0x74: {  	[tilespmem:s30], [sflag:$0x2] =	stream.indirect_vreg.gather [hbm4b:s2+s3], $0x80, v4, vm0, $0xb8;
	[tilespmem:$0x1E400] =	vst v63  }
0x75: {  	s9 =	simm.s32 $0xAC00  }
0x76: {  	[tilespmem:s9], [sflag:$0x2] =	stream.indirect_vreg.gather [hbm4b:s5+s3], $0x80, v4, vm0, $0xb8;
	[tilespmem:$0x1E400] =	vst v63  }
0x77: {  	s11 =	simm.s32 $0xB400  }
0x78: {  	[tilespmem:s11], [sflag:$0x2] =	stream.indirect_vreg.gather [hbm4b:s2+s3], $0x80, v3, vm0, $0xb8;
	[tilespmem:$0x1E400] =	vst v63  }
0x79: {  	s13 =	simm.s32 $0xBC00  }
0x7a: {  	[tilespmem:s13], [sflag:$0x2] =	stream.indirect_vreg.gather [hbm4b:s5+s3], $0x80, v3, vm0, $0xb8;
	[tilespmem:$0x1E400] =	vst v63  }
0x7b: {  	v3 =	vld [tilespmem:$0x60];
	_ =	sdelay $0x4  }
0x7c: {  	v62 =	vshll.u32 v3, $0x2  }
0x7d: {  	v3 =	vand.u32 $0x7, v3;
	v4 =	vand.u32 $0xFFFFFFE0, v62  }
0x7e: {  	v3 =	vor.u32 v3, v4  }
0x7f: {  	v4 =	vperm.xlane v3, v0;
	_ =	sdelay $0x1  }
0x80: {  	v4 =	vadd.s32 v1, v4;
	_ =	sdelay $0x1  }
0x81: {  	v3 =	vperm.xlane v3, v2;
	_ =	sdelay $0x1  }
0x82: {  	s14 =	simm.s32 $0xC400;
	v3 =	vadd.s32 v1, v3  }
0x83: {  	[tilespmem:s14], [sflag:$0x2] =	stream.indirect_vreg.gather [hbm4b:s2+s3], $0x80, v4, vm0, $0xb8;
	[tilespmem:$0x1E400] =	vst v63  }
0x84: {  	s16 =	simm.s32 $0xCC00  }
0x85: {  	[tilespmem:s16], [sflag:$0x2] =	stream.indirect_vreg.gather [hbm4b:s5+s3], $0x80, v4, vm0, $0xb8;
	[tilespmem:$0x1E400] =	vst v63  }
0x86: {  	s17 =	simm.s32 $0xD400  }
0x87: {  	[tilespmem:s17], [sflag:$0x2] =	stream.indirect_vreg.gather [hbm4b:s2+s3], $0x80, v3, vm0, $0xb8;
	[tilespmem:$0x1E400] =	vst v63  }
0x88: {  	s19 =	simm.s32 $0xDC00  }
0x89: {  	[tilespmem:s19], [sflag:$0x2] =	stream.indirect_vreg.gather [hbm4b:s5+s3], $0x80, v3, vm0, $0xb8;
	[tilespmem:$0x1E400] =	vst v63  }
0x8a: {  	v3 =	vld [tilespmem:$0x70];
	_ =	sdelay $0x4  }
0x8b: {  	v63 =	vshll.u32 v3, $0x2  }
0x8c: {  	v3 =	vand.u32 $0x7, v3;
	v4 =	vand.u32 $0xFFFFFFE0, v63  }
0x8d: {  	v3 =	vor.u32 v3, v4  }
0x8e: {  	v4 =	vperm.xlane v3, v0;
	_ =	sdelay $0x1  }
0x8f: {  	v4 =	vadd.s32 v1, v4;
	_ =	sdelay $0x1  }
0x90: {  	v3 =	vperm.xlane v3, v2;
	_ =	sdelay $0x1  }
0x91: {  	s20 =	simm.s32 $0xE400;
	v3 =	vadd.s32 v1, v3  }
0x92: {  	[tilespmem:s20], [sflag:$0x2] =	stream.indirect_vreg.gather [hbm4b:s2+s3], $0x80, v4, vm0, $0xb8;
	[tilespmem:$0x1E400] =	vst v63  }
0x93: {  	s25 =	simm.s32 $0xEC00  }
0x94: {  	[tilespmem:s25], [sflag:$0x2] =	stream.indirect_vreg.gather [hbm4b:s5+s3], $0x80, v4, vm0, $0xb8;
	[tilespmem:$0x1E400] =	vst v63  }
0x95: {  	s26 =	simm.s32 $0xF400  }
0x96: {  	[tilespmem:s26], [sflag:$0x2] =	stream.indirect_vreg.gather [hbm4b:s2+s3], $0x80, v3, vm0, $0xb8;
	[tilespmem:$0x1E400] =	vst v63  }
0x97: {  	s29 =	simm.s32 $0xFC00  }
0x98: {  	[tilespmem:s29], [sflag:$0x2] =	stream.indirect_vreg.gather [hbm4b:s5+s3], $0x80, v3, vm0, $0xb8;
	[tilespmem:$0x1E400] =	vst v63  }
0x99: {  	v3 =	vld [tilespmem:$0x80];
	_ =	sdelay $0x4  }
0x9a: {  	v8 =	vshll.u32 v3, $0x2  }
0x9b: {  	v3 =	vand.u32 $0x7, v3;
	v4 =	vand.u32 $0xFFFFFFE0, v8  }
0x9c: {  	v3 =	vor.u32 v3, v4  }
0x9d: {  	v4 =	vperm.xlane v3, v0;
	_ =	sdelay $0x1  }
0x9e: {  	v4 =	vadd.s32 v1, v4;
	_ =	sdelay $0x1  }
0x9f: {  	v3 =	vperm.xlane v3, v2;
	_ =	sdelay $0x1  }
0xa0: {  	s30 =	simm.s32 $0x10400;
	v3 =	vadd.s32 v1, v3  }
0xa1: {  	[tilespmem:s30], [sflag:$0x2] =	stream.indirect_vreg.gather [hbm4b:s2+s3], $0x80, v4, vm0, $0xb8;
	[tilespmem:$0x1E400] =	vst v63  }
0xa2: {  	s11 =	simm.s32 $0x10C00  }
0xa3: {  	[tilespmem:s11], [sflag:$0x2] =	stream.indirect_vreg.gather [hbm4b:s5+s3], $0x80, v4, vm0, $0xb8;
	[tilespmem:$0x1E400] =	vst v63  }
0xa4: {  	s13 =	simm.s32 $0x11400  }
0xa5: {  	[tilespmem:s13], [sflag:$0x2] =	stream.indirect_vreg.gather [hbm4b:s2+s3], $0x80, v3, vm0, $0xb8;
	[tilespmem:$0x1E400] =	vst v63  }
0xa6: {  	s14 =	simm.s32 $0x11C00  }
0xa7: {  	[tilespmem:s14], [sflag:$0x2] =	stream.indirect_vreg.gather [hbm4b:s5+s3], $0x80, v3, vm0, $0xb8;
	[tilespmem:$0x1E400] =	vst v63  }
0xa8: {  	v3 =	vld [tilespmem:$0x90];
	_ =	sdelay $0x4  }
0xa9: {  	v9 =	vshll.u32 v3, $0x2  }
0xaa: {  	v3 =	vand.u32 $0x7, v3;
	v4 =	vand.u32 $0xFFFFFFE0, v9  }
0xab: {  	v3 =	vor.u32 v3, v4  }
0xac: {  	v4 =	vperm.xlane v3, v0;
	_ =	sdelay $0x1  }
0xad: {  	v4 =	vadd.s32 v1, v4;
	_ =	sdelay $0x1  }
0xae: {  	v3 =	vperm.xlane v3, v2;
	_ =	sdelay $0x1  }
0xaf: {  	s16 =	simm.s32 $0x12400;
	v3 =	vadd.s32 v1, v3  }
0xb0: {  	[tilespmem:s16], [sflag:$0x2] =	stream.indirect_vreg.gather [hbm4b:s2+s3], $0x80, v4, vm0, $0xb8;
	[tilespmem:$0x1E400] =	vst v63  }
0xb1: {  	s17 =	simm.s32 $0x12C00  }
0xb2: {  	[tilespmem:s17], [sflag:$0x2] =	stream.indirect_vreg.gather [hbm4b:s5+s3], $0x80, v4, vm0, $0xb8;
	[tilespmem:$0x1E400] =	vst v63  }
0xb3: {  	s19 =	simm.s32 $0x13400  }
0xb4: {  	[tilespmem:s19], [sflag:$0x2] =	stream.indirect_vreg.gather [hbm4b:s2+s3], $0x80, v3, vm0, $0xb8;
	[tilespmem:$0x1E400] =	vst v63  }
0xb5: {  	s20 =	simm.s32 $0x13C00  }
0xb6: {  	[tilespmem:s20], [sflag:$0x2] =	stream.indirect_vreg.gather [hbm4b:s5+s3], $0x80, v3, vm0, $0xb8;
	[tilespmem:$0x1E400] =	vst v63  }
0xb7: {  	v3 =	vld [tilespmem:$0xA0];
	_ =	sdelay $0x4  }
0xb8: {  	v10 =	vshll.u32 v3, $0x2  }
0xb9: {  	v3 =	vand.u32 $0x7, v3;
	v4 =	vand.u32 $0xFFFFFFE0, v10  }
0xba: {  	v3 =	vor.u32 v3, v4  }
0xbb: {  	v4 =	vperm.xlane v3, v0;
	_ =	sdelay $0x1  }
0xbc: {  	v4 =	vadd.s32 v1, v4;
	_ =	sdelay $0x1  }
0xbd: {  	v3 =	vperm.xlane v3, v2;
	_ =	sdelay $0x1  }
0xbe: {  	s25 =	simm.s32 $0x14400;
	v3 =	vadd.s32 v1, v3  }
0xbf: {  	[tilespmem:s25], [sflag:$0x3] =	stream.indirect_vreg.gather [hbm4b:s2+s3], $0x80, v4, vm0, $0xb8;
	[tilespmem:$0x1E400] =	vst v63  }
0xc0: {  	s11 =	simm.s32 $0x14C00  }
0xc1: {  	[tilespmem:s11], [sflag:$0x3] =	stream.indirect_vreg.gather [hbm4b:s5+s3], $0x80, v4, vm0, $0xb8;
	[tilespmem:$0x1E400] =	vst v63  }
0xc2: {  	s26 =	simm.s32 $0x15400  }
0xc3: {  	[tilespmem:s26], [sflag:$0x3] =	stream.indirect_vreg.gather [hbm4b:s2+s3], $0x80, v3, vm0, $0xb8;
	[tilespmem:$0x1E400] =	vst v63  }
0xc4: {  	s29 =	simm.s32 $0x15C00  }
0xc5: {  	[tilespmem:s29], [sflag:$0x3] =	stream.indirect_vreg.gather [hbm4b:s5+s3], $0x80, v3, vm0, $0xb8;
	[tilespmem:$0x1E400] =	vst v63  }
0xc6: {  	v3 =	vld [tilespmem:$0xB0];
	_ =	sdelay $0x4  }
0xc7: {  	v11 =	vshll.u32 v3, $0x2  }
0xc8: {  	v3 =	vand.u32 $0x7, v3;
	v4 =	vand.u32 $0xFFFFFFE0, v11  }
0xc9: {  	v3 =	vor.u32 v3, v4  }
0xca: {  	v4 =	vperm.xlane v3, v0;
	_ =	sdelay $0x1  }
0xcb: {  	v4 =	vadd.s32 v1, v4;
	_ =	sdelay $0x1  }
0xcc: {  	v3 =	vperm.xlane v3, v2;
	_ =	sdelay $0x1  }
0xcd: {  	s30 =	simm.s32 $0x16400;
	v3 =	vadd.s32 v1, v3  }
0xce: {  	[tilespmem:s30], [sflag:$0x3] =	stream.indirect_vreg.gather [hbm4b:s2+s3], $0x80, v4, vm0, $0xb8;
	[tilespmem:$0x1E400] =	vst v63  }
0xcf: {  	s8 =	simm.s32 $0x16C00  }
0xd0: {  	[tilespmem:s8], [sflag:$0x3] =	stream.indirect_vreg.gather [hbm4b:s5+s3], $0x80, v4, vm0, $0xb8;
	[tilespmem:$0x1E400] =	vst v63  }
0xd1: {  	s13 =	simm.s32 $0x17400  }
0xd2: {  	[tilespmem:s13], [sflag:$0x3] =	stream.indirect_vreg.gather [hbm4b:s2+s3], $0x80, v3, vm0, $0xb8;
	[tilespmem:$0x1E400] =	vst v63  }
0xd3: {  	s14 =	simm.s32 $0x17C00  }
0xd4: {  	[tilespmem:s14], [sflag:$0x3] =	stream.indirect_vreg.gather [hbm4b:s5+s3], $0x80, v3, vm0, $0xb8;
	[tilespmem:$0x1E400] =	vst v63  }
0xd5: {  	v3 =	vld [tilespmem:$0xC0];
	_ =	sdelay $0x4  }
0xd6: {  	v12 =	vshll.u32 v3, $0x2  }
0xd7: {  	v3 =	vand.u32 $0x7, v3;
	v4 =	vand.u32 $0xFFFFFFE0, v12  }
0xd8: {  	v3 =	vor.u32 v3, v4  }
0xd9: {  	v4 =	vperm.xlane v3, v0;
	_ =	sdelay $0x1  }
0xda: {  	v4 =	vadd.s32 v1, v4;
	_ =	sdelay $0x1  }
0xdb: {  	v3 =	vperm.xlane v3, v2;
	_ =	sdelay $0x1  }
0xdc: {  	s16 =	simm.s32 $0x18400;
	v3 =	vadd.s32 v1, v3  }
0xdd: {  	[tilespmem:s16], [sflag:$0x3] =	stream.indirect_vreg.gather [hbm4b:s2+s3], $0x80, v4, vm0, $0xb8;
	[tilespmem:$0x1E400] =	vst v63  }
0xde: {  	s17 =	simm.s32 $0x18C00  }
0xdf: {  	[tilespmem:s17], [sflag:$0x3] =	stream.indirect_vreg.gather [hbm4b:s5+s3], $0x80, v4, vm0, $0xb8;
	[tilespmem:$0x1E400] =	vst v63  }
0xe0: {  	s19 =	simm.s32 $0x19400  }
0xe1: {  	[tilespmem:s19], [sflag:$0x3] =	stream.indirect_vreg.gather [hbm4b:s2+s3], $0x80, v3, vm0, $0xb8;
	[tilespmem:$0x1E400] =	vst v63  }
0xe2: {  	s20 =	simm.s32 $0x19C00  }
0xe3: {  	[tilespmem:s20], [sflag:$0x3] =	stream.indirect_vreg.gather [hbm4b:s5+s3], $0x80, v3, vm0, $0xb8;
	[tilespmem:$0x1E400] =	vst v63  }
0xe4: {  	v3 =	vld [tilespmem:$0xD0];
	_ =	sdelay $0x4  }
0xe5: {  	v13 =	vshll.u32 v3, $0x2  }
0xe6: {  	v3 =	vand.u32 $0x7, v3;
	v4 =	vand.u32 $0xFFFFFFE0, v13  }
0xe7: {  	v3 =	vor.u32 v3, v4  }
0xe8: {  	v4 =	vperm.xlane v3, v0;
	_ =	sdelay $0x1  }
0xe9: {  	v4 =	vadd.s32 v1, v4;
	_ =	sdelay $0x1  }
0xea: {  	v3 =	vperm.xlane v3, v2;
	_ =	sdelay $0x1  }
0xeb: {  	s25 =	simm.s32 $0x1A400;
	v3 =	vadd.s32 v1, v3  }
0xec: {  	[tilespmem:s25], [sflag:$0x3] =	stream.indirect_vreg.gather [hbm4b:s2+s3], $0x80, v4, vm0, $0xb8;
	[tilespmem:$0x1E400] =	vst v63  }
0xed: {  	s29 =	simm.s32 $0x1AC00  }
0xee: {  	[tilespmem:s29], [sflag:$0x3] =	stream.indirect_vreg.gather [hbm4b:s5+s3], $0x80, v4, vm0, $0xb8;
	[tilespmem:$0x1E400] =	vst v63  }
0xef: {  	s8 =	simm.s32 $0x1B400  }
0xf0: {  	[tilespmem:s8], [sflag:$0x3] =	stream.indirect_vreg.gather [hbm4b:s2+s3], $0x80, v3, vm0, $0xb8;
	[tilespmem:$0x1E400] =	vst v63  }
0xf1: {  	s13 =	simm.s32 $0x1BC00  }
0xf2: {  	[tilespmem:s13], [sflag:$0x3] =	stream.indirect_vreg.gather [hbm4b:s5+s3], $0x80, v3, vm0, $0xb8;
	[tilespmem:$0x1E400] =	vst v63  }
0xf3: {  	v3 =	vld [tilespmem:$0xE0];
	_ =	sdelay $0x4  }
0xf4: {  	v14 =	vshll.u32 v3, $0x2  }
0xf5: {  	v3 =	vand.u32 $0x7, v3;
	v4 =	vand.u32 $0xFFFFFFE0, v14  }
0xf6: {  	v3 =	vor.u32 v3, v4  }
0xf7: {  	v4 =	vperm.xlane v3, v0;
	_ =	sdelay $0x1  }
0xf8: {  	v4 =	vadd.s32 v1, v4;
	_ =	sdelay $0x1  }
0xf9: {  	v3 =	vperm.xlane v3, v2;
	_ =	sdelay $0x1  }
0xfa: {  	s14 =	simm.s32 $0x1C400;
	v3 =	vadd.s32 v1, v3  }
0xfb: {  	[tilespmem:s14], [sflag:$0x3] =	stream.indirect_vreg.gather [hbm4b:s2+s3], $0x80, v4, vm0, $0xb8;
	[tilespmem:$0x1E400] =	vst v63  }
0xfc: {  	s16 =	simm.s32 $0x1CC00  }
0xfd: {  	[tilespmem:s16], [sflag:$0x3] =	stream.indirect_vreg.gather [hbm4b:s5+s3], $0x80, v4, vm0, $0xb8;
	[tilespmem:$0x1E400] =	vst v63  }
0xfe: {  	s17 =	simm.s32 $0x1D400  }
0xff: {  	[tilespmem:s17], [sflag:$0x3] =	stream.indirect_vreg.gather [hbm4b:s2+s3], $0x80, v3, vm0, $0xb8;
	[tilespmem:$0x1E400] =	vst v63  }
0x100: {  	s19 =	simm.s32 $0x1DC00  }
0x101: {  	[tilespmem:s19], [sflag:$0x3] =	stream.indirect_vreg.gather [hbm4b:s5+s3], $0x80, v3, vm0, $0xb8;
	[tilespmem:$0x1E400] =	vst v63  }
0x102: {  	_ =	swait.ge [sflag:s31], $0xA000  }
0x103: {  	[sflag:s31] =	ssyncset.done $0x0  }
0x104: {  	s29 =	simm.s32 $0x400;
	s20 =	rddreg [dreg:$0x13];
	[sflag:s31] =	ssyncadd.s32 $0xFFFF6000  }
0x105: {  	[hbm4b:s20+s3] =	stream.linear.scatter [tilespmem:s29], [sflag:$0x4], $0xA000, $0x38;
	[tilespmem:$0x1E400] =	vst v63  }
0x106: {  	_ =	swait.ge [sflag:s0], $0xA000  }
0x107: {  	[sflag:s0] =	ssyncset.done $0x0  }
0x108: {  	[sflag:s0] =	ssyncadd.s32 $0xFFFF6000  }
0x109: {  	v3 =	vld [tilespmem:$0xF0];
	_ =	sdelay $0x4  }
0x10a: {  	v15 =	vshll.u32 v3, $0x2  }
0x10b: {  	v3 =	vand.u32 $0x7, v3;
	v4 =	vand.u32 $0xFFFFFFE0, v15  }
0x10c: {  	v3 =	vor.u32 v3, v4  }
0x10d: {  	v4 =	vperm.xlane v3, v0;
	_ =	sdelay $0x1  }
0x10e: {  	v4 =	vadd.s32 v1, v4;
	_ =	sdelay $0x1  }
0x10f: {  	v3 =	vperm.xlane v3, v2;
	_ =	sdelay $0x1  }
0x110: {  	v3 =	vadd.s32 v1, v3  }
0x111: {  	[tilespmem:s29], [sflag:$0x1] =	stream.indirect_vreg.gather [hbm4b:s2+s3], $0x80, v4, vm0, $0xb8;
	[tilespmem:$0x1E400] =	vst v63  }
0x112: {  	s29 =	simm.s32 $0xC00  }
0x113: {  	[tilespmem:s29], [sflag:$0x1] =	stream.indirect_vreg.gather [hbm4b:s5+s3], $0x80, v4, vm0, $0xb8;
	[tilespmem:$0x1E400] =	vst v63  }
0x114: {  	s11 =	simm.s32 $0x1400  }
0x115: {  	[tilespmem:s11], [sflag:$0x1] =	stream.indirect_vreg.gather [hbm4b:s2+s3], $0x80, v3, vm0, $0xb8;
	[tilespmem:$0x1E400] =	vst v63  }
0x116: {  	s12 =	simm.s32 $0x1C00  }
0x117: {  	[tilespmem:s12], [sflag:$0x1] =	stream.indirect_vreg.gather [hbm4b:s5+s3], $0x80, v3, vm0, $0xb8;
	[tilespmem:$0x1E400] =	vst v63  }
0x118: {  	v3 =	vld [tilespmem:$0x100];
	_ =	sdelay $0x4  }
0x119: {  	v16 =	vshll.u32 v3, $0x2  }
0x11a: {  	v3 =	vand.u32 $0x7, v3;
	v4 =	vand.u32 $0xFFFFFFE0, v16  }
0x11b: {  	v3 =	vor.u32 v3, v4  }
0x11c: {  	v4 =	vperm.xlane v3, v0;
	_ =	sdelay $0x1  }
0x11d: {  	v4 =	vadd.s32 v1, v4;
	_ =	sdelay $0x1  }
0x11e: {  	v3 =	vperm.xlane v3, v2;
	_ =	sdelay $0x1  }
0x11f: {  	s12 =	simm.s32 $0x2400;
	v3 =	vadd.s32 v1, v3  }
0x120: {  	[tilespmem:s12], [sflag:$0x1] =	stream.indirect_vreg.gather [hbm4b:s2+s3], $0x80, v4, vm0, $0xb8;
	[tilespmem:$0x1E400] =	vst v63  }
0x121: {  	s13 =	simm.s32 $0x2C00  }
0x122: {  	[tilespmem:s13], [sflag:$0x1] =	stream.indirect_vreg.gather [hbm4b:s5+s3], $0x80, v4, vm0, $0xb8;
	[tilespmem:$0x1E400] =	vst v63  }
0x123: {  	s14 =	simm.s32 $0x3400  }
0x124: {  	[tilespmem:s14], [sflag:$0x1] =	stream.indirect_vreg.gather [hbm4b:s2+s3], $0x80, v3, vm0, $0xb8;
	[tilespmem:$0x1E400] =	vst v63  }
0x125: {  	s15 =	simm.s32 $0x3C00  }
0x126: {  	[tilespmem:s15], [sflag:$0x1] =	stream.indirect_vreg.gather [hbm4b:s5+s3], $0x80, v3, vm0, $0xb8;
	[tilespmem:$0x1E400] =	vst v63  }
0x127: {  	v3 =	vld [tilespmem:$0x110];
	_ =	sdelay $0x4  }
0x128: {  	v17 =	vshll.u32 v3, $0x2  }
0x129: {  	v3 =	vand.u32 $0x7, v3;
	v4 =	vand.u32 $0xFFFFFFE0, v17  }
0x12a: {  	v3 =	vor.u32 v3, v4  }
0x12b: {  	v4 =	vperm.xlane v3, v0;
	_ =	sdelay $0x1  }
0x12c: {  	v4 =	vadd.s32 v1, v4;
	_ =	sdelay $0x1  }
0x12d: {  	v3 =	vperm.xlane v3, v2;
	_ =	sdelay $0x1  }
0x12e: {  	s15 =	simm.s32 $0x4400;
	v3 =	vadd.s32 v1, v3  }
0x12f: {  	[tilespmem:s15], [sflag:$0x1] =	stream.indirect_vreg.gather [hbm4b:s2+s3], $0x80, v4, vm0, $0xb8;
	[tilespmem:$0x1E400] =	vst v63  }
0x130: {  	s16 =	simm.s32 $0x4C00  }
0x131: {  	[tilespmem:s16], [sflag:$0x1] =	stream.indirect_vreg.gather [hbm4b:s5+s3], $0x80, v4, vm0, $0xb8;
	[tilespmem:$0x1E400] =	vst v63  }
0x132: {  	s17 =	simm.s32 $0x5400  }
0x133: {  	[tilespmem:s17], [sflag:$0x1] =	stream.indirect_vreg.gather [hbm4b:s2+s3], $0x80, v3, vm0, $0xb8;
	[tilespmem:$0x1E400] =	vst v63  }
0x134: {  	s18 =	simm.s32 $0x5C00  }
0x135: {  	[tilespmem:s18], [sflag:$0x1] =	stream.indirect_vreg.gather [hbm4b:s5+s3], $0x80, v3, vm0, $0xb8;
	[tilespmem:$0x1E400] =	vst v63  }
0x136: {  	v3 =	vld [tilespmem:$0x120];
	_ =	sdelay $0x4  }
0x137: {  	v18 =	vshll.u32 v3, $0x2  }
0x138: {  	v3 =	vand.u32 $0x7, v3;
	v4 =	vand.u32 $0xFFFFFFE0, v18  }
0x139: {  	v3 =	vor.u32 v3, v4  }
0x13a: {  	v4 =	vperm.xlane v3, v0;
	_ =	sdelay $0x1  }
0x13b: {  	v4 =	vadd.s32 v1, v4;
	_ =	sdelay $0x1  }
0x13c: {  	v3 =	vperm.xlane v3, v2;
	_ =	sdelay $0x1  }
0x13d: {  	s18 =	simm.s32 $0x6400;
	v3 =	vadd.s32 v1, v3  }
0x13e: {  	[tilespmem:s18], [sflag:$0x1] =	stream.indirect_vreg.gather [hbm4b:s2+s3], $0x80, v4, vm0, $0xb8;
	[tilespmem:$0x1E400] =	vst v63  }
0x13f: {  	s19 =	simm.s32 $0x6C00  }
0x140: {  	[tilespmem:s19], [sflag:$0x1] =	stream.indirect_vreg.gather [hbm4b:s5+s3], $0x80, v4, vm0, $0xb8;
	[tilespmem:$0x1E400] =	vst v63  }
0x141: {  	s20 =	simm.s32 $0x7400  }
0x142: {  	[tilespmem:s20], [sflag:$0x1] =	stream.indirect_vreg.gather [hbm4b:s2+s3], $0x80, v3, vm0, $0xb8;
	[tilespmem:$0x1E400] =	vst v63  }
0x143: {  	s1 =	simm.s32 $0x7C00  }
0x144: {  	[tilespmem:s1], [sflag:$0x1] =	stream.indirect_vreg.gather [hbm4b:s5+s3], $0x80, v3, vm0, $0xb8;
	[tilespmem:$0x1E400] =	vst v63  }
0x145: {  	v3 =	vld [tilespmem:$0x130];
	_ =	sdelay $0x4  }
0x146: {  	v19 =	vshll.u32 v3, $0x2  }
0x147: {  	v3 =	vand.u32 $0x7, v3;
	v4 =	vand.u32 $0xFFFFFFE0, v19  }
0x148: {  	v3 =	vor.u32 v3, v4  }
0x149: {  	v4 =	vperm.xlane v3, v0;
	_ =	sdelay $0x1  }
0x14a: {  	v4 =	vadd.s32 v1, v4;
	_ =	sdelay $0x1  }
0x14b: {  	v3 =	vperm.xlane v3, v2;
	_ =	sdelay $0x1  }
0x14c: {  	s8 =	simm.s32 $0x8400;
	v3 =	vadd.s32 v1, v3  }
0x14d: {  	[tilespmem:s8], [sflag:$0x1] =	stream.indirect_vreg.gather [hbm4b:s2+s3], $0x80, v4, vm0, $0xb8;
	[tilespmem:$0x1E400] =	vst v63  }
0x14e: {  	s25 =	simm.s32 $0x8C00  }
0x14f: {  	[tilespmem:s25], [sflag:$0x1] =	stream.indirect_vreg.gather [hbm4b:s5+s3], $0x80, v4, vm0, $0xb8;
	[tilespmem:$0x1E400] =	vst v63  }
0x150: {  	s8 =	simm.s32 $0x9400  }
0x151: {  	[tilespmem:s8], [sflag:$0x1] =	stream.indirect_vreg.gather [hbm4b:s2+s3], $0x80, v3, vm0, $0xb8;
	[tilespmem:$0x1E400] =	vst v63  }
0x152: {  	s25 =	simm.s32 $0x9C00  }
0x153: {  	[tilespmem:s25], [sflag:$0x1] =	stream.indirect_vreg.gather [hbm4b:s5+s3], $0x80, v3, vm0, $0xb8;
	[tilespmem:$0x1E400] =	vst v63  }
0x154: {  	_ =	swait.ge [sflag:s10], $0xA000  }
0x155: {  	[sflag:s10] =	ssyncset.done $0x0  }
0x156: {  	s1 =	simm.s32 $0xA400;
	s8 =	rddreg [dreg:$0x5];
	[sflag:s10] =	ssyncadd.s32 $0xFFFF6000  }
0x157: {  	[hbm4b:s8+s3] =	stream.linear.scatter [tilespmem:s1], [sflag:$0x5], $0xA000, $0x38;
	[tilespmem:$0x1E400] =	vst v63  }
0x158: {  	_ =	swait.ge [sflag:s4], $0xA000  }
0x159: {  	[sflag:s4] =	ssyncset.done $0x0  }
0x15a: {  	[sflag:s4] =	ssyncadd.s32 $0xFFFF6000  }
0x15b: {  	v3 =	vld [tilespmem:$0x140];
	_ =	sdelay $0x4  }
0x15c: {  	v20 =	vshll.u32 v3, $0x2  }
0x15d: {  	v3 =	vand.u32 $0x7, v3;
	v4 =	vand.u32 $0xFFFFFFE0, v20  }
0x15e: {  	v3 =	vor.u32 v3, v4  }
0x15f: {  	v4 =	vperm.xlane v3, v0;
	_ =	sdelay $0x1  }
0x160: {  	v4 =	vadd.s32 v1, v4;
	_ =	sdelay $0x1  }
0x161: {  	v3 =	vperm.xlane v3, v2;
	_ =	sdelay $0x1  }
0x162: {  	v3 =	vadd.s32 v1, v3  }
0x163: {  	[tilespmem:s1], [sflag:$0x2] =	stream.indirect_vreg.gather [hbm4b:s2+s3], $0x80, v4, vm0, $0xb8;
	[tilespmem:$0x1E400] =	vst v63  }
0x164: {  	s21 =	simm.s32 $0xAC00  }
0x165: {  	[tilespmem:s21], [sflag:$0x2] =	stream.indirect_vreg.gather [hbm4b:s5+s3], $0x80, v4, vm0, $0xb8;
	[tilespmem:$0x1E400] =	vst v63  }
0x166: {  	s22 =	simm.s32 $0xB400  }
0x167: {  	[tilespmem:s22], [sflag:$0x2] =	stream.indirect_vreg.gather [hbm4b:s2+s3], $0x80, v3, vm0, $0xb8;
	[tilespmem:$0x1E400] =	vst v63  }
0x168: {  	s9 =	simm.s32 $0xBC00  }
0x169: {  	[tilespmem:s9], [sflag:$0x2] =	stream.indirect_vreg.gather [hbm4b:s5+s3], $0x80, v3, vm0, $0xb8;
	[tilespmem:$0x1E400] =	vst v63  }
0x16a: {  	v3 =	vld [tilespmem:$0x150];
	_ =	sdelay $0x4  }
0x16b: {  	v21 =	vshll.u32 v3, $0x2  }
0x16c: {  	v3 =	vand.u32 $0x7, v3;
	v4 =	vand.u32 $0xFFFFFFE0, v21  }
0x16d: {  	v3 =	vor.u32 v3, v4  }
0x16e: {  	v4 =	vperm.xlane v3, v0;
	_ =	sdelay $0x1  }
0x16f: {  	v4 =	vadd.s32 v1, v4;
	_ =	sdelay $0x1  }
0x170: {  	v3 =	vperm.xlane v3, v2;
	_ =	sdelay $0x1  }
0x171: {  	s23 =	simm.s32 $0xC400;
	v3 =	vadd.s32 v1, v3  }
0x172: {  	[tilespmem:s23], [sflag:$0x2] =	stream.indirect_vreg.gather [hbm4b:s2+s3], $0x80, v4, vm0, $0xb8;
	[tilespmem:$0x1E400] =	vst v63  }
0x173: {  	s28 =	simm.s32 $0xCC00  }
0x174: {  	[tilespmem:s28], [sflag:$0x2] =	stream.indirect_vreg.gather [hbm4b:s5+s3], $0x80, v4, vm0, $0xb8;
	[tilespmem:$0x1E400] =	vst v63  }
0x175: {  	s9 =	simm.s32 $0xD400  }
0x176: {  	[tilespmem:s9], [sflag:$0x2] =	stream.indirect_vreg.gather [hbm4b:s2+s3], $0x80, v3, vm0, $0xb8;
	[tilespmem:$0x1E400] =	vst v63  }
0x177: {  	s28 =	simm.s32 $0xDC00  }
0x178: {  	[tilespmem:s28], [sflag:$0x2] =	stream.indirect_vreg.gather [hbm4b:s5+s3], $0x80, v3, vm0, $0xb8;
	[tilespmem:$0x1E400] =	vst v63  }
0x179: {  	v3 =	vld [tilespmem:$0x160];
	_ =	sdelay $0x4  }
0x17a: {  	v22 =	vshll.u32 v3, $0x2  }
0x17b: {  	v3 =	vand.u32 $0x7, v3;
	v4 =	vand.u32 $0xFFFFFFE0, v22  }
0x17c: {  	v3 =	vor.u32 v3, v4  }
0x17d: {  	v4 =	vperm.xlane v3, v0;
	_ =	sdelay $0x1  }
0x17e: {  	v4 =	vadd.s32 v1, v4;
	_ =	sdelay $0x1  }
0x17f: {  	v3 =	vperm.xlane v3, v2;
	_ =	sdelay $0x1  }
0x180: {  	s8 =	simm.s32 $0xE400;
	v3 =	vadd.s32 v1, v3  }
0x181: {  	[tilespmem:s8], [sflag:$0x2] =	stream.indirect_vreg.gather [hbm4b:s2+s3], $0x80, v4, vm0, $0xb8;
	[tilespmem:$0x1E400] =	vst v63  }
0x182: {  	s21 =	simm.s32 $0xEC00  }
0x183: {  	[tilespmem:s21], [sflag:$0x2] =	stream.indirect_vreg.gather [hbm4b:s5+s3], $0x80, v4, vm0, $0xb8;
	[tilespmem:$0x1E400] =	vst v63  }
0x184: {  	s22 =	simm.s32 $0xF400  }
0x185: {  	[tilespmem:s22], [sflag:$0x2] =	stream.indirect_vreg.gather [hbm4b:s2+s3], $0x80, v3, vm0, $0xb8;
	[tilespmem:$0x1E400] =	vst v63  }
0x186: {  	s23 =	simm.s32 $0xFC00  }
0x187: {  	[tilespmem:s23], [sflag:$0x2] =	stream.indirect_vreg.gather [hbm4b:s5+s3], $0x80, v3, vm0, $0xb8;
	[tilespmem:$0x1E400] =	vst v63  }
0x188: {  	v3 =	vld [tilespmem:$0x170];
	_ =	sdelay $0x4  }
0x189: {  	v23 =	vshll.u32 v3, $0x2  }
0x18a: {  	v3 =	vand.u32 $0x7, v3;
	v4 =	vand.u32 $0xFFFFFFE0, v23  }
0x18b: {  	v3 =	vor.u32 v3, v4  }
0x18c: {  	v4 =	vperm.xlane v3, v0;
	_ =	sdelay $0x1  }
0x18d: {  	v4 =	vadd.s32 v1, v4;
	_ =	sdelay $0x1  }
0x18e: {  	v3 =	vperm.xlane v3, v2;
	_ =	sdelay $0x1  }
0x18f: {  	s25 =	simm.s32 $0x10400;
	v3 =	vadd.s32 v1, v3  }
0x190: {  	[tilespmem:s25], [sflag:$0x2] =	stream.indirect_vreg.gather [hbm4b:s2+s3], $0x80, v4, vm0, $0xb8;
	[tilespmem:$0x1E400] =	vst v63  }
0x191: {  	s28 =	simm.s32 $0x10C00  }
0x192: {  	[tilespmem:s28], [sflag:$0x2] =	stream.indirect_vreg.gather [hbm4b:s5+s3], $0x80, v4, vm0, $0xb8;
	[tilespmem:$0x1E400] =	vst v63  }
0x193: {  	s8 =	simm.s32 $0x11400  }
0x194: {  	[tilespmem:s8], [sflag:$0x2] =	stream.indirect_vreg.gather [hbm4b:s2+s3], $0x80, v3, vm0, $0xb8;
	[tilespmem:$0x1E400] =	vst v63  }
0x195: {  	s21 =	simm.s32 $0x11C00  }
0x196: {  	[tilespmem:s21], [sflag:$0x2] =	stream.indirect_vreg.gather [hbm4b:s5+s3], $0x80, v3, vm0, $0xb8;
	[tilespmem:$0x1E400] =	vst v63  }
0x197: {  	v3 =	vld [tilespmem:$0x180];
	_ =	sdelay $0x4  }
0x198: {  	v24 =	vshll.u32 v3, $0x2  }
0x199: {  	v3 =	vand.u32 $0x7, v3;
	v4 =	vand.u32 $0xFFFFFFE0, v24  }
0x19a: {  	v3 =	vor.u32 v3, v4  }
0x19b: {  	v4 =	vperm.xlane v3, v0;
	_ =	sdelay $0x1  }
0x19c: {  	v4 =	vadd.s32 v1, v4;
	_ =	sdelay $0x1  }
0x19d: {  	v3 =	vperm.xlane v3, v2;
	_ =	sdelay $0x1  }
0x19e: {  	s22 =	simm.s32 $0x12400;
	v3 =	vadd.s32 v1, v3  }
0x19f: {  	[tilespmem:s22], [sflag:$0x2] =	stream.indirect_vreg.gather [hbm4b:s2+s3], $0x80, v4, vm0, $0xb8;
	[tilespmem:$0x1E400] =	vst v63  }
0x1a0: {  	s23 =	simm.s32 $0x12C00  }
0x1a1: {  	[tilespmem:s23], [sflag:$0x2] =	stream.indirect_vreg.gather [hbm4b:s5+s3], $0x80, v4, vm0, $0xb8;
	[tilespmem:$0x1E400] =	vst v63  }
0x1a2: {  	s25 =	simm.s32 $0x13400  }
0x1a3: {  	[tilespmem:s25], [sflag:$0x2] =	stream.indirect_vreg.gather [hbm4b:s2+s3], $0x80, v3, vm0, $0xb8;
	[tilespmem:$0x1E400] =	vst v63  }
0x1a4: {  	s28 =	simm.s32 $0x13C00  }
0x1a5: {  	[tilespmem:s28], [sflag:$0x2] =	stream.indirect_vreg.gather [hbm4b:s5+s3], $0x80, v3, vm0, $0xb8;
	[tilespmem:$0x1E400] =	vst v63  }
0x1a6: {  	_ =	swait.ge [sflag:s7], $0xA000  }
0x1a7: {  	[sflag:s7] =	ssyncset.done $0x0  }
0x1a8: {  	s21 =	simm.s32 $0x14400;
	s8 =	rddreg [dreg:$0x6];
	[sflag:s7] =	ssyncadd.s32 $0xFFFF6000  }
0x1a9: {  	[hbm4b:s8+s3] =	stream.linear.scatter [tilespmem:s21], [sflag:$0x6], $0xA000, $0x38;
	[tilespmem:$0x1E400] =	vst v63  }
0x1aa: {  	_ =	swait.ge [sflag:s24], $0xA000  }
0x1ab: {  	[sflag:s24] =	ssyncset.done $0x0  }
0x1ac: {  	[sflag:s24] =	ssyncadd.s32 $0xFFFF6000  }
0x1ad: {  	v3 =	vld [tilespmem:$0x190];
	_ =	sdelay $0x4  }
0x1ae: {  	v25 =	vshll.u32 v3, $0x2  }
0x1af: {  	v3 =	vand.u32 $0x7, v3;
	v4 =	vand.u32 $0xFFFFFFE0, v25  }
0x1b0: {  	v3 =	vor.u32 v3, v4  }
0x1b1: {  	v4 =	vperm.xlane v3, v0;
	_ =	sdelay $0x1  }
0x1b2: {  	v4 =	vadd.s32 v1, v4;
	_ =	sdelay $0x1  }
0x1b3: {  	v3 =	vperm.xlane v3, v2;
	_ =	sdelay $0x1  }
0x1b4: {  	v3 =	vadd.s32 v1, v3  }
0x1b5: {  	[tilespmem:s21], [sflag:$0x3] =	stream.indirect_vreg.gather [hbm4b:s2+s3], $0x80, v4, vm0, $0xb8;
	[tilespmem:$0x1E400] =	vst v63  }
0x1b6: {  	s23 =	simm.s32 $0x14C00  }
0x1b7: {  	[tilespmem:s23], [sflag:$0x3] =	stream.indirect_vreg.gather [hbm4b:s5+s3], $0x80, v4, vm0, $0xb8;
	[tilespmem:$0x1E400] =	vst v63  }
0x1b8: {  	s22 =	simm.s32 $0x15400  }
0x1b9: {  	[tilespmem:s22], [sflag:$0x3] =	stream.indirect_vreg.gather [hbm4b:s2+s3], $0x80, v3, vm0, $0xb8;
	[tilespmem:$0x1E400] =	vst v63  }
0x1ba: {  	s25 =	simm.s32 $0x15C00  }
0x1bb: {  	[tilespmem:s25], [sflag:$0x3] =	stream.indirect_vreg.gather [hbm4b:s5+s3], $0x80, v3, vm0, $0xb8;
	[tilespmem:$0x1E400] =	vst v63  }
0x1bc: {  	v3 =	vld [tilespmem:$0x1A0];
	_ =	sdelay $0x4  }
0x1bd: {  	v26 =	vshll.u32 v3, $0x2  }
0x1be: {  	v3 =	vand.u32 $0x7, v3;
	v4 =	vand.u32 $0xFFFFFFE0, v26  }
0x1bf: {  	v3 =	vor.u32 v3, v4  }
0x1c0: {  	v4 =	vperm.xlane v3, v0;
	_ =	sdelay $0x1  }
0x1c1: {  	v4 =	vadd.s32 v1, v4;
	_ =	sdelay $0x1  }
0x1c2: {  	v3 =	vperm.xlane v3, v2;
	_ =	sdelay $0x1  }
0x1c3: {  	s21 =	simm.s32 $0x16400;
	v3 =	vadd.s32 v1, v3  }
0x1c4: {  	[tilespmem:s21], [sflag:$0x3] =	stream.indirect_vreg.gather [hbm4b:s2+s3], $0x80, v4, vm0, $0xb8;
	[tilespmem:$0x1E400] =	vst v63  }
0x1c5: {  	s22 =	simm.s32 $0x16C00  }
0x1c6: {  	[tilespmem:s22], [sflag:$0x3] =	stream.indirect_vreg.gather [hbm4b:s5+s3], $0x80, v4, vm0, $0xb8;
	[tilespmem:$0x1E400] =	vst v63  }
0x1c7: {  	s8 =	simm.s32 $0x17400  }
0x1c8: {  	[tilespmem:s8], [sflag:$0x3] =	stream.indirect_vreg.gather [hbm4b:s2+s3], $0x80, v3, vm0, $0xb8;
	[tilespmem:$0x1E400] =	vst v63  }
0x1c9: {  	s26 =	simm.s32 $0x17C00  }
0x1ca: {  	[tilespmem:s26], [sflag:$0x3] =	stream.indirect_vreg.gather [hbm4b:s5+s3], $0x80, v3, vm0, $0xb8;
	[tilespmem:$0x1E400] =	vst v63  }
0x1cb: {  	v3 =	vld [tilespmem:$0x1B0];
	_ =	sdelay $0x4  }
0x1cc: {  	v27 =	vshll.u32 v3, $0x2  }
0x1cd: {  	v3 =	vand.u32 $0x7, v3;
	v4 =	vand.u32 $0xFFFFFFE0, v27  }
0x1ce: {  	v3 =	vor.u32 v3, v4  }
0x1cf: {  	v4 =	vperm.xlane v3, v0;
	_ =	sdelay $0x1  }
0x1d0: {  	v4 =	vadd.s32 v1, v4;
	_ =	sdelay $0x1  }
0x1d1: {  	v3 =	vperm.xlane v3, v2;
	_ =	sdelay $0x1  }
0x1d2: {  	s28 =	simm.s32 $0x18400;
	v3 =	vadd.s32 v1, v3  }
0x1d3: {  	[tilespmem:s28], [sflag:$0x3] =	stream.indirect_vreg.gather [hbm4b:s2+s3], $0x80, v4, vm0, $0xb8;
	[tilespmem:$0x1E400] =	vst v63  }
0x1d4: {  	s26 =	simm.s32 $0x18C00  }
0x1d5: {  	[tilespmem:s26], [sflag:$0x3] =	stream.indirect_vreg.gather [hbm4b:s5+s3], $0x80, v4, vm0, $0xb8;
	[tilespmem:$0x1E400] =	vst v63  }
0x1d6: {  	s28 =	simm.s32 $0x19400  }
0x1d7: {  	[tilespmem:s28], [sflag:$0x3] =	stream.indirect_vreg.gather [hbm4b:s2+s3], $0x80, v3, vm0, $0xb8;
	[tilespmem:$0x1E400] =	vst v63  }
0x1d8: {  	s30 =	simm.s32 $0x19C00  }
0x1d9: {  	[tilespmem:s30], [sflag:$0x3] =	stream.indirect_vreg.gather [hbm4b:s5+s3], $0x80, v3, vm0, $0xb8;
	[tilespmem:$0x1E400] =	vst v63  }
0x1da: {  	v3 =	vld [tilespmem:$0x1C0];
	_ =	sdelay $0x4  }
0x1db: {  	v28 =	vshll.u32 v3, $0x2  }
0x1dc: {  	v3 =	vand.u32 $0x7, v3;
	v4 =	vand.u32 $0xFFFFFFE0, v28  }
0x1dd: {  	v3 =	vor.u32 v3, v4  }
0x1de: {  	v4 =	vperm.xlane v3, v0;
	_ =	sdelay $0x1  }
0x1df: {  	v4 =	vadd.s32 v1, v4;
	_ =	sdelay $0x1  }
0x1e0: {  	v3 =	vperm.xlane v3, v2;
	_ =	sdelay $0x1  }
0x1e1: {  	s30 =	simm.s32 $0x1A400;
	v3 =	vadd.s32 v1, v3  }
0x1e2: {  	[tilespmem:s30], [sflag:$0x3] =	stream.indirect_vreg.gather [hbm4b:s2+s3], $0x80, v4, vm0, $0xb8;
	[tilespmem:$0x1E400] =	vst v63  }
0x1e3: {  	s25 =	simm.s32 $0x1AC00  }
0x1e4: {  	[tilespmem:s25], [sflag:$0x3] =	stream.indirect_vreg.gather [hbm4b:s5+s3], $0x80, v4, vm0, $0xb8;
	[tilespmem:$0x1E400] =	vst v63  }
0x1e5: {  	s25 =	simm.s32 $0x1B400  }
0x1e6: {  	[tilespmem:s25], [sflag:$0x3] =	stream.indirect_vreg.gather [hbm4b:s2+s3], $0x80, v3, vm0, $0xb8;
	[tilespmem:$0x1E400] =	vst v63  }
0x1e7: {  	s25 =	simm.s32 $0x1BC00  }
0x1e8: {  	[tilespmem:s25], [sflag:$0x3] =	stream.indirect_vreg.gather [hbm4b:s5+s3], $0x80, v3, vm0, $0xb8;
	[tilespmem:$0x1E400] =	vst v63  }
0x1e9: {  	v3 =	vld [tilespmem:$0x1D0];
	_ =	sdelay $0x4  }
0x1ea: {  	v29 =	vshll.u32 v3, $0x2  }
0x1eb: {  	v3 =	vand.u32 $0x7, v3;
	v4 =	vand.u32 $0xFFFFFFE0, v29  }
0x1ec: {  	v3 =	vor.u32 v3, v4  }
0x1ed: {  	v4 =	vperm.xlane v3, v0;
	_ =	sdelay $0x1  }
0x1ee: {  	v4 =	vadd.s32 v1, v4;
	_ =	sdelay $0x1  }
0x1ef: {  	v3 =	vperm.xlane v3, v2;
	_ =	sdelay $0x1  }
0x1f0: {  	s25 =	simm.s32 $0x1C400;
	v3 =	vadd.s32 v1, v3  }
0x1f1: {  	[tilespmem:s25], [sflag:$0x3] =	stream.indirect_vreg.gather [hbm4b:s2+s3], $0x80, v4, vm0, $0xb8;
	[tilespmem:$0x1E400] =	vst v63  }
0x1f2: {  	s25 =	simm.s32 $0x1CC00  }
0x1f3: {  	[tilespmem:s25], [sflag:$0x3] =	stream.indirect_vreg.gather [hbm4b:s5+s3], $0x80, v4, vm0, $0xb8;
	[tilespmem:$0x1E400] =	vst v63  }
0x1f4: {  	s25 =	simm.s32 $0x1D400  }
0x1f5: {  	[tilespmem:s25], [sflag:$0x3] =	stream.indirect_vreg.gather [hbm4b:s2+s3], $0x80, v3, vm0, $0xb8;
	[tilespmem:$0x1E400] =	vst v63  }
0x1f6: {  	s25 =	simm.s32 $0x1DC00  }
0x1f7: {  	[tilespmem:s25], [sflag:$0x3] =	stream.indirect_vreg.gather [hbm4b:s5+s3], $0x80, v3, vm0, $0xb8;
	[tilespmem:$0x1E400] =	vst v63  }
0x1f8: {  	_ =	swait.ge [sflag:s31], $0xA000  }
0x1f9: {  	[sflag:s31] =	ssyncset.done $0x0  }
0x1fa: {  	s1 =	simm.s32 $0x400;
	s25 =	rddreg [dreg:$0x7];
	[sflag:s31] =	ssyncadd.s32 $0xFFFF6000  }
0x1fb: {  	[hbm4b:s25+s3] =	stream.linear.scatter [tilespmem:s1], [sflag:$0x4], $0xA000, $0x38;
	[tilespmem:$0x1E400] =	vst v63  }
0x1fc: {  	_ =	swait.ge [sflag:s0], $0xA000  }
0x1fd: {  	[sflag:s0] =	ssyncset.done $0x0  }
0x1fe: {  	[sflag:s0] =	ssyncadd.s32 $0xFFFF6000  }
0x1ff: {  	v3 =	vld [tilespmem:$0x1E0];
	_ =	sdelay $0x4  }
0x200: {  	v30 =	vshll.u32 v3, $0x2  }
0x201: {  	v3 =	vand.u32 $0x7, v3;
	v4 =	vand.u32 $0xFFFFFFE0, v30  }
0x202: {  	v3 =	vor.u32 v3, v4  }
0x203: {  	v4 =	vperm.xlane v3, v0;
	_ =	sdelay $0x1  }
0x204: {  	v4 =	vadd.s32 v1, v4;
	_ =	sdelay $0x1  }
0x205: {  	v3 =	vperm.xlane v3, v2;
	_ =	sdelay $0x1  }
0x206: {  	v3 =	vadd.s32 v1, v3  }
0x207: {  	[tilespmem:s1], [sflag:$0x1] =	stream.indirect_vreg.gather [hbm4b:s2+s3], $0x80, v4, vm0, $0xb8;
	[tilespmem:$0x1E400] =	vst v63  }
0x208: {  	_ = 	snop  }
0x209: {  	[tilespmem:s29], [sflag:$0x1] =	stream.indirect_vreg.gather [hbm4b:s5+s3], $0x80, v4, vm0, $0xb8;
	[tilespmem:$0x1E400] =	vst v63  }
0x20a: {  	_ = 	snop  }
0x20b: {  	[tilespmem:s11], [sflag:$0x1] =	stream.indirect_vreg.gather [hbm4b:s2+s3], $0x80, v3, vm0, $0xb8;
	[tilespmem:$0x1E400] =	vst v63  }
0x20c: {  	s11 =	simm.s32 $0x1C00  }
0x20d: {  	[tilespmem:s11], [sflag:$0x1] =	stream.indirect_vreg.gather [hbm4b:s5+s3], $0x80, v3, vm0, $0xb8;
	[tilespmem:$0x1E400] =	vst v63  }
0x20e: {  	v3 =	vld [tilespmem:$0x1F0];
	_ =	sdelay $0x4  }
0x20f: {  	v31 =	vshll.u32 v3, $0x2  }
0x210: {  	v3 =	vand.u32 $0x7, v3;
	v4 =	vand.u32 $0xFFFFFFE0, v31  }
0x211: {  	v3 =	vor.u32 v3, v4  }
0x212: {  	v4 =	vperm.xlane v3, v0;
	_ =	sdelay $0x1  }
0x213: {  	v4 =	vadd.s32 v1, v4;
	_ =	sdelay $0x1  }
0x214: {  	v3 =	vperm.xlane v3, v2;
	_ =	sdelay $0x1  }
0x215: {  	v3 =	vadd.s32 v1, v3  }
0x216: {  	[tilespmem:s12], [sflag:$0x1] =	stream.indirect_vreg.gather [hbm4b:s2+s3], $0x80, v4, vm0, $0xb8;
	[tilespmem:$0x1E400] =	vst v63  }
0x217: {  	_ = 	snop  }
0x218: {  	[tilespmem:s13], [sflag:$0x1] =	stream.indirect_vreg.gather [hbm4b:s5+s3], $0x80, v4, vm0, $0xb8;
	[tilespmem:$0x1E400] =	vst v63  }
0x219: {  	_ = 	snop  }
0x21a: {  	[tilespmem:s14], [sflag:$0x1] =	stream.indirect_vreg.gather [hbm4b:s2+s3], $0x80, v3, vm0, $0xb8;
	[tilespmem:$0x1E400] =	vst v63  }
0x21b: {  	s14 =	simm.s32 $0x3C00  }
0x21c: {  	[tilespmem:s14], [sflag:$0x1] =	stream.indirect_vreg.gather [hbm4b:s5+s3], $0x80, v3, vm0, $0xb8;
	[tilespmem:$0x1E400] =	vst v63  }
0x21d: {  	v3 =	vld [tilespmem:$0x200];
	_ =	sdelay $0x4  }
0x21e: {  	v32 =	vshll.u32 v3, $0x2  }
0x21f: {  	v3 =	vand.u32 $0x7, v3;
	v4 =	vand.u32 $0xFFFFFFE0, v32  }
0x220: {  	v3 =	vor.u32 v3, v4  }
0x221: {  	v4 =	vperm.xlane v3, v0;
	_ =	sdelay $0x1  }
0x222: {  	v4 =	vadd.s32 v1, v4;
	_ =	sdelay $0x1  }
0x223: {  	v3 =	vperm.xlane v3, v2;
	_ =	sdelay $0x1  }
0x224: {  	v3 =	vadd.s32 v1, v3  }
0x225: {  	[tilespmem:s15], [sflag:$0x1] =	stream.indirect_vreg.gather [hbm4b:s2+s3], $0x80, v4, vm0, $0xb8;
	[tilespmem:$0x1E400] =	vst v63  }
0x226: {  	_ = 	snop  }
0x227: {  	[tilespmem:s16], [sflag:$0x1] =	stream.indirect_vreg.gather [hbm4b:s5+s3], $0x80, v4, vm0, $0xb8;
	[tilespmem:$0x1E400] =	vst v63  }
0x228: {  	_ = 	snop  }
0x229: {  	[tilespmem:s17], [sflag:$0x1] =	stream.indirect_vreg.gather [hbm4b:s2+s3], $0x80, v3, vm0, $0xb8;
	[tilespmem:$0x1E400] =	vst v63  }
0x22a: {  	s25 =	simm.s32 $0x5C00  }
0x22b: {  	[tilespmem:s25], [sflag:$0x1] =	stream.indirect_vreg.gather [hbm4b:s5+s3], $0x80, v3, vm0, $0xb8;
	[tilespmem:$0x1E400] =	vst v63  }
0x22c: {  	v3 =	vld [tilespmem:$0x210];
	_ =	sdelay $0x4  }
0x22d: {  	v33 =	vshll.u32 v3, $0x2  }
0x22e: {  	v3 =	vand.u32 $0x7, v3;
	v4 =	vand.u32 $0xFFFFFFE0, v33  }
0x22f: {  	v3 =	vor.u32 v3, v4  }
0x230: {  	v4 =	vperm.xlane v3, v0;
	_ =	sdelay $0x1  }
0x231: {  	v4 =	vadd.s32 v1, v4;
	_ =	sdelay $0x1  }
0x232: {  	v3 =	vperm.xlane v3, v2;
	_ =	sdelay $0x1  }
0x233: {  	v3 =	vadd.s32 v1, v3  }
0x234: {  	[tilespmem:s18], [sflag:$0x1] =	stream.indirect_vreg.gather [hbm4b:s2+s3], $0x80, v4, vm0, $0xb8;
	[tilespmem:$0x1E400] =	vst v63  }
0x235: {  	_ = 	snop  }
0x236: {  	[tilespmem:s19], [sflag:$0x1] =	stream.indirect_vreg.gather [hbm4b:s5+s3], $0x80, v4, vm0, $0xb8;
	[tilespmem:$0x1E400] =	vst v63  }
0x237: {  	_ = 	snop  }
0x238: {  	[tilespmem:s20], [sflag:$0x1] =	stream.indirect_vreg.gather [hbm4b:s2+s3], $0x80, v3, vm0, $0xb8;
	[tilespmem:$0x1E400] =	vst v63  }
0x239: {  	s29 =	simm.s32 $0x7C00  }
0x23a: {  	[tilespmem:s29], [sflag:$0x1] =	stream.indirect_vreg.gather [hbm4b:s5+s3], $0x80, v3, vm0, $0xb8;
	[tilespmem:$0x1E400] =	vst v63  }
0x23b: {  	v3 =	vld [tilespmem:$0x220];
	_ =	sdelay $0x4  }
0x23c: {  	v34 =	vshll.u32 v3, $0x2  }
0x23d: {  	v3 =	vand.u32 $0x7, v3;
	v4 =	vand.u32 $0xFFFFFFE0, v34  }
0x23e: {  	v3 =	vor.u32 v3, v4  }
0x23f: {  	v4 =	vperm.xlane v3, v0;
	_ =	sdelay $0x1  }
0x240: {  	v4 =	vadd.s32 v1, v4;
	_ =	sdelay $0x1  }
0x241: {  	v3 =	vperm.xlane v3, v2;
	_ =	sdelay $0x1  }
0x242: {  	s11 =	simm.s32 $0x8400;
	v3 =	vadd.s32 v1, v3  }
0x243: {  	[tilespmem:s11], [sflag:$0x1] =	stream.indirect_vreg.gather [hbm4b:s2+s3], $0x80, v4, vm0, $0xb8;
	[tilespmem:$0x1E400] =	vst v63  }
0x244: {  	s12 =	simm.s32 $0x8C00  }
0x245: {  	[tilespmem:s12], [sflag:$0x1] =	stream.indirect_vreg.gather [hbm4b:s5+s3], $0x80, v4, vm0, $0xb8;
	[tilespmem:$0x1E400] =	vst v63  }
0x246: {  	s13 =	simm.s32 $0x9400  }
0x247: {  	[tilespmem:s13], [sflag:$0x1] =	stream.indirect_vreg.gather [hbm4b:s2+s3], $0x80, v3, vm0, $0xb8;
	[tilespmem:$0x1E400] =	vst v63  }
0x248: {  	s14 =	simm.s32 $0x9C00  }
0x249: {  	[tilespmem:s14], [sflag:$0x1] =	stream.indirect_vreg.gather [hbm4b:s5+s3], $0x80, v3, vm0, $0xb8;
	[tilespmem:$0x1E400] =	vst v63  }
0x24a: {  	_ =	swait.ge [sflag:s10], $0xA000  }
0x24b: {  	[sflag:s10] =	ssyncset.done $0x0  }
0x24c: {  	s16 =	simm.s32 $0xA400;
	s15 =	rddreg [dreg:$0x8];
	[sflag:s10] =	ssyncadd.s32 $0xFFFF6000  }
0x24d: {  	[hbm4b:s15+s3] =	stream.linear.scatter [tilespmem:s16], [sflag:$0x5], $0xA000, $0x38;
	[tilespmem:$0x1E400] =	vst v63  }
0x24e: {  	_ =	swait.ge [sflag:s4], $0xA000  }
0x24f: {  	[sflag:s4] =	ssyncset.done $0x0  }
0x250: {  	[sflag:s4] =	ssyncadd.s32 $0xFFFF6000  }
0x251: {  	v3 =	vld [tilespmem:$0x230];
	_ =	sdelay $0x4  }
0x252: {  	v35 =	vshll.u32 v3, $0x2  }
0x253: {  	v3 =	vand.u32 $0x7, v3;
	v4 =	vand.u32 $0xFFFFFFE0, v35  }
0x254: {  	v3 =	vor.u32 v3, v4  }
0x255: {  	v4 =	vperm.xlane v3, v0;
	_ =	sdelay $0x1  }
0x256: {  	v4 =	vadd.s32 v1, v4;
	_ =	sdelay $0x1  }
0x257: {  	v3 =	vperm.xlane v3, v2;
	_ =	sdelay $0x1  }
0x258: {  	v3 =	vadd.s32 v1, v3  }
0x259: {  	[tilespmem:s16], [sflag:$0x2] =	stream.indirect_vreg.gather [hbm4b:s2+s3], $0x80, v4, vm0, $0xb8;
	[tilespmem:$0x1E400] =	vst v63  }
0x25a: {  	s17 =	simm.s32 $0xAC00  }
0x25b: {  	[tilespmem:s17], [sflag:$0x2] =	stream.indirect_vreg.gather [hbm4b:s5+s3], $0x80, v4, vm0, $0xb8;
	[tilespmem:$0x1E400] =	vst v63  }
0x25c: {  	s19 =	simm.s32 $0xB400  }
0x25d: {  	[tilespmem:s19], [sflag:$0x2] =	stream.indirect_vreg.gather [hbm4b:s2+s3], $0x80, v3, vm0, $0xb8;
	[tilespmem:$0x1E400] =	vst v63  }
0x25e: {  	s20 =	simm.s32 $0xBC00  }
0x25f: {  	[tilespmem:s20], [sflag:$0x2] =	stream.indirect_vreg.gather [hbm4b:s5+s3], $0x80, v3, vm0, $0xb8;
	[tilespmem:$0x1E400] =	vst v63  }
0x260: {  	v3 =	vld [tilespmem:$0x240];
	_ =	sdelay $0x4  }
0x261: {  	v36 =	vshll.u32 v3, $0x2  }
0x262: {  	v3 =	vand.u32 $0x7, v3;
	v4 =	vand.u32 $0xFFFFFFE0, v36  }
0x263: {  	v3 =	vor.u32 v3, v4  }
0x264: {  	v4 =	vperm.xlane v3, v0;
	_ =	sdelay $0x1  }
0x265: {  	v4 =	vadd.s32 v1, v4;
	_ =	sdelay $0x1  }
0x266: {  	v3 =	vperm.xlane v3, v2;
	_ =	sdelay $0x1  }
0x267: {  	s25 =	simm.s32 $0xC400;
	v3 =	vadd.s32 v1, v3  }
0x268: {  	[tilespmem:s25], [sflag:$0x2] =	stream.indirect_vreg.gather [hbm4b:s2+s3], $0x80, v4, vm0, $0xb8;
	[tilespmem:$0x1E400] =	vst v63  }
0x269: {  	s29 =	simm.s32 $0xCC00  }
0x26a: {  	[tilespmem:s29], [sflag:$0x2] =	stream.indirect_vreg.gather [hbm4b:s5+s3], $0x80, v4, vm0, $0xb8;
	[tilespmem:$0x1E400] =	vst v63  }
0x26b: {  	_ = 	snop  }
0x26c: {  	[tilespmem:s9], [sflag:$0x2] =	stream.indirect_vreg.gather [hbm4b:s2+s3], $0x80, v3, vm0, $0xb8;
	[tilespmem:$0x1E400] =	vst v63  }
0x26d: {  	s11 =	simm.s32 $0xDC00  }
0x26e: {  	[tilespmem:s11], [sflag:$0x2] =	stream.indirect_vreg.gather [hbm4b:s5+s3], $0x80, v3, vm0, $0xb8;
	[tilespmem:$0x1E400] =	vst v63  }
0x26f: {  	v3 =	vld [tilespmem:$0x250];
	_ =	sdelay $0x4  }
0x270: {  	v37 =	vshll.u32 v3, $0x2  }
0x271: {  	v3 =	vand.u32 $0x7, v3;
	v4 =	vand.u32 $0xFFFFFFE0, v37  }
0x272: {  	v3 =	vor.u32 v3, v4  }
0x273: {  	v4 =	vperm.xlane v3, v0;
	_ =	sdelay $0x1  }
0x274: {  	v4 =	vadd.s32 v1, v4;
	_ =	sdelay $0x1  }
0x275: {  	v3 =	vperm.xlane v3, v2;
	_ =	sdelay $0x1  }
0x276: {  	s12 =	simm.s32 $0xE400;
	v3 =	vadd.s32 v1, v3  }
0x277: {  	[tilespmem:s12], [sflag:$0x2] =	stream.indirect_vreg.gather [hbm4b:s2+s3], $0x80, v4, vm0, $0xb8;
	[tilespmem:$0x1E400] =	vst v63  }
0x278: {  	s13 =	simm.s32 $0xEC00  }
0x279: {  	[tilespmem:s13], [sflag:$0x2] =	stream.indirect_vreg.gather [hbm4b:s5+s3], $0x80, v4, vm0, $0xb8;
	[tilespmem:$0x1E400] =	vst v63  }
0x27a: {  	s14 =	simm.s32 $0xF400  }
0x27b: {  	[tilespmem:s14], [sflag:$0x2] =	stream.indirect_vreg.gather [hbm4b:s2+s3], $0x80, v3, vm0, $0xb8;
	[tilespmem:$0x1E400] =	vst v63  }
0x27c: {  	s15 =	simm.s32 $0xFC00  }
0x27d: {  	[tilespmem:s15], [sflag:$0x2] =	stream.indirect_vreg.gather [hbm4b:s5+s3], $0x80, v3, vm0, $0xb8;
	[tilespmem:$0x1E400] =	vst v63  }
0x27e: {  	v3 =	vld [tilespmem:$0x260];
	_ =	sdelay $0x4  }
0x27f: {  	v38 =	vshll.u32 v3, $0x2  }
0x280: {  	v3 =	vand.u32 $0x7, v3;
	v4 =	vand.u32 $0xFFFFFFE0, v38  }
0x281: {  	v3 =	vor.u32 v3, v4  }
0x282: {  	v4 =	vperm.xlane v3, v0;
	_ =	sdelay $0x1  }
0x283: {  	v4 =	vadd.s32 v1, v4;
	_ =	sdelay $0x1  }
0x284: {  	v3 =	vperm.xlane v3, v2;
	_ =	sdelay $0x1  }
0x285: {  	s16 =	simm.s32 $0x10400;
	v3 =	vadd.s32 v1, v3  }
0x286: {  	[tilespmem:s16], [sflag:$0x2] =	stream.indirect_vreg.gather [hbm4b:s2+s3], $0x80, v4, vm0, $0xb8;
	[tilespmem:$0x1E400] =	vst v63  }
0x287: {  	s17 =	simm.s32 $0x10C00  }
0x288: {  	[tilespmem:s17], [sflag:$0x2] =	stream.indirect_vreg.gather [hbm4b:s5+s3], $0x80, v4, vm0, $0xb8;
	[tilespmem:$0x1E400] =	vst v63  }
0x289: {  	s25 =	simm.s32 $0x11400  }
0x28a: {  	[tilespmem:s25], [sflag:$0x2] =	stream.indirect_vreg.gather [hbm4b:s2+s3], $0x80, v3, vm0, $0xb8;
	[tilespmem:$0x1E400] =	vst v63  }
0x28b: {  	s9 =	simm.s32 $0x11C00  }
0x28c: {  	[tilespmem:s9], [sflag:$0x2] =	stream.indirect_vreg.gather [hbm4b:s5+s3], $0x80, v3, vm0, $0xb8;
	[tilespmem:$0x1E400] =	vst v63  }
0x28d: {  	v3 =	vld [tilespmem:$0x270];
	_ =	sdelay $0x4  }
0x28e: {  	v39 =	vshll.u32 v3, $0x2  }
0x28f: {  	v3 =	vand.u32 $0x7, v3;
	v4 =	vand.u32 $0xFFFFFFE0, v39  }
0x290: {  	v3 =	vor.u32 v3, v4  }
0x291: {  	v4 =	vperm.xlane v3, v0;
	_ =	sdelay $0x1  }
0x292: {  	v4 =	vadd.s32 v1, v4;
	_ =	sdelay $0x1  }
0x293: {  	v3 =	vperm.xlane v3, v2;
	_ =	sdelay $0x1  }
0x294: {  	s11 =	simm.s32 $0x12400;
	v3 =	vadd.s32 v1, v3  }
0x295: {  	[tilespmem:s11], [sflag:$0x2] =	stream.indirect_vreg.gather [hbm4b:s2+s3], $0x80, v4, vm0, $0xb8;
	[tilespmem:$0x1E400] =	vst v63  }
0x296: {  	s12 =	simm.s32 $0x12C00  }
0x297: {  	[tilespmem:s12], [sflag:$0x2] =	stream.indirect_vreg.gather [hbm4b:s5+s3], $0x80, v4, vm0, $0xb8;
	[tilespmem:$0x1E400] =	vst v63  }
0x298: {  	s13 =	simm.s32 $0x13400  }
0x299: {  	[tilespmem:s13], [sflag:$0x2] =	stream.indirect_vreg.gather [hbm4b:s2+s3], $0x80, v3, vm0, $0xb8;
	[tilespmem:$0x1E400] =	vst v63  }
0x29a: {  	s14 =	simm.s32 $0x13C00  }
0x29b: {  	[tilespmem:s14], [sflag:$0x2] =	stream.indirect_vreg.gather [hbm4b:s5+s3], $0x80, v3, vm0, $0xb8;
	[tilespmem:$0x1E400] =	vst v63  }
0x29c: {  	_ =	swait.ge [sflag:s7], $0xA000  }
0x29d: {  	[sflag:s7] =	ssyncset.done $0x0  }
0x29e: {  	s16 =	simm.s32 $0x14400;
	s15 =	rddreg [dreg:$0x9];
	[sflag:s7] =	ssyncadd.s32 $0xFFFF6000  }
0x29f: {  	[hbm4b:s15+s3] =	stream.linear.scatter [tilespmem:s16], [sflag:$0x6], $0xA000, $0x38;
	[tilespmem:$0x1E400] =	vst v63  }
0x2a0: {  	_ =	swait.ge [sflag:s24], $0xA000  }
0x2a1: {  	[sflag:s24] =	ssyncset.done $0x0  }
0x2a2: {  	[sflag:s24] =	ssyncadd.s32 $0xFFFF6000  }
0x2a3: {  	v3 =	vld [tilespmem:$0x280];
	_ =	sdelay $0x4  }
0x2a4: {  	v40 =	vshll.u32 v3, $0x2  }
0x2a5: {  	v3 =	vand.u32 $0x7, v3;
	v4 =	vand.u32 $0xFFFFFFE0, v40  }
0x2a6: {  	v3 =	vor.u32 v3, v4  }
0x2a7: {  	v4 =	vperm.xlane v3, v0;
	_ =	sdelay $0x1  }
0x2a8: {  	v4 =	vadd.s32 v1, v4;
	_ =	sdelay $0x1  }
0x2a9: {  	v3 =	vperm.xlane v3, v2;
	_ =	sdelay $0x1  }
0x2aa: {  	v3 =	vadd.s32 v1, v3  }
0x2ab: {  	[tilespmem:s16], [sflag:$0x3] =	stream.indirect_vreg.gather [hbm4b:s2+s3], $0x80, v4, vm0, $0xb8;
	[tilespmem:$0x1E400] =	vst v63  }
0x2ac: {  	_ = 	snop  }
0x2ad: {  	[tilespmem:s23], [sflag:$0x3] =	stream.indirect_vreg.gather [hbm4b:s5+s3], $0x80, v4, vm0, $0xb8;
	[tilespmem:$0x1E400] =	vst v63  }
0x2ae: {  	s17 =	simm.s32 $0x15400  }
0x2af: {  	[tilespmem:s17], [sflag:$0x3] =	stream.indirect_vreg.gather [hbm4b:s2+s3], $0x80, v3, vm0, $0xb8;
	[tilespmem:$0x1E400] =	vst v63  }
0x2b0: {  	s25 =	simm.s32 $0x15C00  }
0x2b1: {  	[tilespmem:s25], [sflag:$0x3] =	stream.indirect_vreg.gather [hbm4b:s5+s3], $0x80, v3, vm0, $0xb8;
	[tilespmem:$0x1E400] =	vst v63  }
0x2b2: {  	v3 =	vld [tilespmem:$0x290];
	_ =	sdelay $0x4  }
0x2b3: {  	v41 =	vshll.u32 v3, $0x2  }
0x2b4: {  	v3 =	vand.u32 $0x7, v3;
	v4 =	vand.u32 $0xFFFFFFE0, v41  }
0x2b5: {  	v3 =	vor.u32 v3, v4  }
0x2b6: {  	v4 =	vperm.xlane v3, v0;
	_ =	sdelay $0x1  }
0x2b7: {  	v4 =	vadd.s32 v1, v4;
	_ =	sdelay $0x1  }
0x2b8: {  	v3 =	vperm.xlane v3, v2;
	_ =	sdelay $0x1  }
0x2b9: {  	v3 =	vadd.s32 v1, v3  }
0x2ba: {  	[tilespmem:s21], [sflag:$0x3] =	stream.indirect_vreg.gather [hbm4b:s2+s3], $0x80, v4, vm0, $0xb8;
	[tilespmem:$0x1E400] =	vst v63  }
0x2bb: {  	_ = 	snop  }
0x2bc: {  	[tilespmem:s22], [sflag:$0x3] =	stream.indirect_vreg.gather [hbm4b:s5+s3], $0x80, v4, vm0, $0xb8;
	[tilespmem:$0x1E400] =	vst v63  }
0x2bd: {  	_ = 	snop  }
0x2be: {  	[tilespmem:s8], [sflag:$0x3] =	stream.indirect_vreg.gather [hbm4b:s2+s3], $0x80, v3, vm0, $0xb8;
	[tilespmem:$0x1E400] =	vst v63  }
0x2bf: {  	s9 =	simm.s32 $0x17C00  }
0x2c0: {  	[tilespmem:s9], [sflag:$0x3] =	stream.indirect_vreg.gather [hbm4b:s5+s3], $0x80, v3, vm0, $0xb8;
	[tilespmem:$0x1E400] =	vst v63  }
0x2c1: {  	v3 =	vld [tilespmem:$0x2A0];
	_ =	sdelay $0x4  }
0x2c2: {  	v42 =	vshll.u32 v3, $0x2  }
0x2c3: {  	v3 =	vand.u32 $0x7, v3;
	v4 =	vand.u32 $0xFFFFFFE0, v42  }
0x2c4: {  	v3 =	vor.u32 v3, v4  }
0x2c5: {  	v4 =	vperm.xlane v3, v0;
	_ =	sdelay $0x1  }
0x2c6: {  	v4 =	vadd.s32 v1, v4;
	_ =	sdelay $0x1  }
0x2c7: {  	v3 =	vperm.xlane v3, v2;
	_ =	sdelay $0x1  }
0x2c8: {  	s11 =	simm.s32 $0x18400;
	v3 =	vadd.s32 v1, v3  }
0x2c9: {  	[tilespmem:s11], [sflag:$0x3] =	stream.indirect_vreg.gather [hbm4b:s2+s3], $0x80, v4, vm0, $0xb8;
	[tilespmem:$0x1E400] =	vst v63  }
0x2ca: {  	_ = 	snop  }
0x2cb: {  	[tilespmem:s26], [sflag:$0x3] =	stream.indirect_vreg.gather [hbm4b:s5+s3], $0x80, v4, vm0, $0xb8;
	[tilespmem:$0x1E400] =	vst v63  }
0x2cc: {  	_ = 	snop  }
0x2cd: {  	[tilespmem:s28], [sflag:$0x3] =	stream.indirect_vreg.gather [hbm4b:s2+s3], $0x80, v3, vm0, $0xb8;
	[tilespmem:$0x1E400] =	vst v63  }
0x2ce: {  	s8 =	simm.s32 $0x19C00  }
0x2cf: {  	[tilespmem:s8], [sflag:$0x3] =	stream.indirect_vreg.gather [hbm4b:s5+s3], $0x80, v3, vm0, $0xb8;
	[tilespmem:$0x1E400] =	vst v63  }
0x2d0: {  	v3 =	vld [tilespmem:$0x2B0];
	_ =	sdelay $0x4  }
0x2d1: {  	v43 =	vshll.u32 v3, $0x2  }
0x2d2: {  	v3 =	vand.u32 $0x7, v3;
	v4 =	vand.u32 $0xFFFFFFE0, v43  }
0x2d3: {  	v3 =	vor.u32 v3, v4  }
0x2d4: {  	v4 =	vperm.xlane v3, v0;
	_ =	sdelay $0x1  }
0x2d5: {  	v4 =	vadd.s32 v1, v4;
	_ =	sdelay $0x1  }
0x2d6: {  	v3 =	vperm.xlane v3, v2;
	_ =	sdelay $0x1  }
0x2d7: {  	v3 =	vadd.s32 v1, v3  }
0x2d8: {  	[tilespmem:s30], [sflag:$0x3] =	stream.indirect_vreg.gather [hbm4b:s2+s3], $0x80, v4, vm0, $0xb8;
	[tilespmem:$0x1E400] =	vst v63  }
0x2d9: {  	s12 =	simm.s32 $0x1AC00  }
0x2da: {  	[tilespmem:s12], [sflag:$0x3] =	stream.indirect_vreg.gather [hbm4b:s5+s3], $0x80, v4, vm0, $0xb8;
	[tilespmem:$0x1E400] =	vst v63  }
0x2db: {  	s13 =	simm.s32 $0x1B400  }
0x2dc: {  	[tilespmem:s13], [sflag:$0x3] =	stream.indirect_vreg.gather [hbm4b:s2+s3], $0x80, v3, vm0, $0xb8;
	[tilespmem:$0x1E400] =	vst v63  }
0x2dd: {  	s14 =	simm.s32 $0x1BC00  }
0x2de: {  	[tilespmem:s14], [sflag:$0x3] =	stream.indirect_vreg.gather [hbm4b:s5+s3], $0x80, v3, vm0, $0xb8;
	[tilespmem:$0x1E400] =	vst v63  }
0x2df: {  	v3 =	vld [tilespmem:$0x2C0];
	_ =	sdelay $0x4  }
0x2e0: {  	v44 =	vshll.u32 v3, $0x2  }
0x2e1: {  	v3 =	vand.u32 $0x7, v3;
	v4 =	vand.u32 $0xFFFFFFE0, v44  }
0x2e2: {  	v3 =	vor.u32 v3, v4  }
0x2e3: {  	v4 =	vperm.xlane v3, v0;
	_ =	sdelay $0x1  }
0x2e4: {  	v4 =	vadd.s32 v1, v4;
	_ =	sdelay $0x1  }
0x2e5: {  	v3 =	vperm.xlane v3, v2;
	_ =	sdelay $0x1  }
0x2e6: {  	s15 =	simm.s32 $0x1C400;
	v3 =	vadd.s32 v1, v3  }
0x2e7: {  	[tilespmem:s15], [sflag:$0x3] =	stream.indirect_vreg.gather [hbm4b:s2+s3], $0x80, v4, vm0, $0xb8;
	[tilespmem:$0x1E400] =	vst v63  }
0x2e8: {  	s17 =	simm.s32 $0x1CC00  }
0x2e9: {  	[tilespmem:s17], [sflag:$0x3] =	stream.indirect_vreg.gather [hbm4b:s5+s3], $0x80, v4, vm0, $0xb8;
	[tilespmem:$0x1E400] =	vst v63  }
0x2ea: {  	s25 =	simm.s32 $0x1D400  }
0x2eb: {  	[tilespmem:s25], [sflag:$0x3] =	stream.indirect_vreg.gather [hbm4b:s2+s3], $0x80, v3, vm0, $0xb8;
	[tilespmem:$0x1E400] =	vst v63  }
0x2ec: {  	s1 =	simm.s32 $0x1DC00  }
0x2ed: {  	[tilespmem:s1], [sflag:$0x3] =	stream.indirect_vreg.gather [hbm4b:s5+s3], $0x80, v3, vm0, $0xb8;
	[tilespmem:$0x1E400] =	vst v63  }
0x2ee: {  	_ =	swait.ge [sflag:s31], $0xA000  }
0x2ef: {  	[sflag:s31] =	ssyncset.done $0x0  }
0x2f0: {  	s1 =	simm.s32 $0x400;
	s25 =	rddreg [dreg:$0xa];
	[sflag:s31] =	ssyncadd.s32 $0xFFFF6000  }
0x2f1: {  	[hbm4b:s25+s3] =	stream.linear.scatter [tilespmem:s1], [sflag:$0x4], $0xA000, $0x38;
	[tilespmem:$0x1E400] =	vst v63  }
0x2f2: {  	_ =	swait.ge [sflag:s0], $0xA000  }
0x2f3: {  	[sflag:s0] =	ssyncset.done $0x0  }
0x2f4: {  	[sflag:s0] =	ssyncadd.s32 $0xFFFF6000  }
0x2f5: {  	v3 =	vld [tilespmem:$0x2D0];
	_ =	sdelay $0x4  }
0x2f6: {  	v45 =	vshll.u32 v3, $0x2  }
0x2f7: {  	v3 =	vand.u32 $0x7, v3;
	v4 =	vand.u32 $0xFFFFFFE0, v45  }
0x2f8: {  	v3 =	vor.u32 v3, v4  }
0x2f9: {  	v4 =	vperm.xlane v3, v0;
	_ =	sdelay $0x1  }
0x2fa: {  	v4 =	vadd.s32 v1, v4;
	_ =	sdelay $0x1  }
0x2fb: {  	v3 =	vperm.xlane v3, v2;
	_ =	sdelay $0x1  }
0x2fc: {  	v3 =	vadd.s32 v1, v3  }
0x2fd: {  	[tilespmem:s1], [sflag:$0x1] =	stream.indirect_vreg.gather [hbm4b:s2+s3], $0x80, v4, vm0, $0xb8;
	[tilespmem:$0x1E400] =	vst v63  }
0x2fe: {  	s25 =	simm.s32 $0xC00  }
0x2ff: {  	[tilespmem:s25], [sflag:$0x1] =	stream.indirect_vreg.gather [hbm4b:s5+s3], $0x80, v4, vm0, $0xb8;
	[tilespmem:$0x1E400] =	vst v63  }
0x300: {  	s25 =	simm.s32 $0x1400  }
0x301: {  	[tilespmem:s25], [sflag:$0x1] =	stream.indirect_vreg.gather [hbm4b:s2+s3], $0x80, v3, vm0, $0xb8;
	[tilespmem:$0x1E400] =	vst v63  }
0x302: {  	s25 =	simm.s32 $0x1C00  }
0x303: {  	[tilespmem:s25], [sflag:$0x1] =	stream.indirect_vreg.gather [hbm4b:s5+s3], $0x80, v3, vm0, $0xb8;
	[tilespmem:$0x1E400] =	vst v63  }
0x304: {  	v3 =	vld [tilespmem:$0x2E0];
	_ =	sdelay $0x4  }
0x305: {  	v46 =	vshll.u32 v3, $0x2  }
0x306: {  	v3 =	vand.u32 $0x7, v3;
	v4 =	vand.u32 $0xFFFFFFE0, v46  }
0x307: {  	v3 =	vor.u32 v3, v4  }
0x308: {  	v4 =	vperm.xlane v3, v0;
	_ =	sdelay $0x1  }
0x309: {  	v4 =	vadd.s32 v1, v4;
	_ =	sdelay $0x1  }
0x30a: {  	v3 =	vperm.xlane v3, v2;
	_ =	sdelay $0x1  }
0x30b: {  	s25 =	simm.s32 $0x2400;
	v3 =	vadd.s32 v1, v3  }
0x30c: {  	[tilespmem:s25], [sflag:$0x1] =	stream.indirect_vreg.gather [hbm4b:s2+s3], $0x80, v4, vm0, $0xb8;
	[tilespmem:$0x1E400] =	vst v63  }
0x30d: {  	s25 =	simm.s32 $0x2C00  }
0x30e: {  	[tilespmem:s25], [sflag:$0x1] =	stream.indirect_vreg.gather [hbm4b:s5+s3], $0x80, v4, vm0, $0xb8;
	[tilespmem:$0x1E400] =	vst v63  }
0x30f: {  	s25 =	simm.s32 $0x3400  }
0x310: {  	[tilespmem:s25], [sflag:$0x1] =	stream.indirect_vreg.gather [hbm4b:s2+s3], $0x80, v3, vm0, $0xb8;
	[tilespmem:$0x1E400] =	vst v63  }
0x311: {  	s25 =	simm.s32 $0x3C00  }
0x312: {  	[tilespmem:s25], [sflag:$0x1] =	stream.indirect_vreg.gather [hbm4b:s5+s3], $0x80, v3, vm0, $0xb8;
	[tilespmem:$0x1E400] =	vst v63  }
0x313: {  	v3 =	vld [tilespmem:$0x2F0];
	_ =	sdelay $0x4  }
0x314: {  	v47 =	vshll.u32 v3, $0x2  }
0x315: {  	v3 =	vand.u32 $0x7, v3;
	v4 =	vand.u32 $0xFFFFFFE0, v47  }
0x316: {  	v3 =	vor.u32 v3, v4  }
0x317: {  	v4 =	vperm.xlane v3, v0;
	_ =	sdelay $0x1  }
0x318: {  	v4 =	vadd.s32 v1, v4;
	_ =	sdelay $0x1  }
0x319: {  	v3 =	vperm.xlane v3, v2;
	_ =	sdelay $0x1  }
0x31a: {  	s25 =	simm.s32 $0x4400;
	v3 =	vadd.s32 v1, v3  }
0x31b: {  	[tilespmem:s25], [sflag:$0x1] =	stream.indirect_vreg.gather [hbm4b:s2+s3], $0x80, v4, vm0, $0xb8;
	[tilespmem:$0x1E400] =	vst v63  }
0x31c: {  	s25 =	simm.s32 $0x4C00  }
0x31d: {  	[tilespmem:s25], [sflag:$0x1] =	stream.indirect_vreg.gather [hbm4b:s5+s3], $0x80, v4, vm0, $0xb8;
	[tilespmem:$0x1E400] =	vst v63  }
0x31e: {  	s25 =	simm.s32 $0x5400  }
0x31f: {  	[tilespmem:s25], [sflag:$0x1] =	stream.indirect_vreg.gather [hbm4b:s2+s3], $0x80, v3, vm0, $0xb8;
	[tilespmem:$0x1E400] =	vst v63  }
0x320: {  	s25 =	simm.s32 $0x5C00  }
0x321: {  	[tilespmem:s25], [sflag:$0x1] =	stream.indirect_vreg.gather [hbm4b:s5+s3], $0x80, v3, vm0, $0xb8;
	[tilespmem:$0x1E400] =	vst v63  }
0x322: {  	v3 =	vld [tilespmem:$0x300];
	_ =	sdelay $0x4  }
0x323: {  	v48 =	vshll.u32 v3, $0x2  }
0x324: {  	v3 =	vand.u32 $0x7, v3;
	v4 =	vand.u32 $0xFFFFFFE0, v48  }
0x325: {  	v3 =	vor.u32 v3, v4  }
0x326: {  	v4 =	vperm.xlane v3, v0;
	_ =	sdelay $0x1  }
0x327: {  	v4 =	vadd.s32 v1, v4;
	_ =	sdelay $0x1  }
0x328: {  	v3 =	vperm.xlane v3, v2;
	_ =	sdelay $0x1  }
0x329: {  	s25 =	simm.s32 $0x6400;
	v3 =	vadd.s32 v1, v3  }
0x32a: {  	[tilespmem:s25], [sflag:$0x1] =	stream.indirect_vreg.gather [hbm4b:s2+s3], $0x80, v4, vm0, $0xb8;
	[tilespmem:$0x1E400] =	vst v63  }
0x32b: {  	s25 =	simm.s32 $0x6C00  }
0x32c: {  	[tilespmem:s25], [sflag:$0x1] =	stream.indirect_vreg.gather [hbm4b:s5+s3], $0x80, v4, vm0, $0xb8;
	[tilespmem:$0x1E400] =	vst v63  }
0x32d: {  	s25 =	simm.s32 $0x7400  }
0x32e: {  	[tilespmem:s25], [sflag:$0x1] =	stream.indirect_vreg.gather [hbm4b:s2+s3], $0x80, v3, vm0, $0xb8;
	[tilespmem:$0x1E400] =	vst v63  }
0x32f: {  	s25 =	simm.s32 $0x7C00  }
0x330: {  	[tilespmem:s25], [sflag:$0x1] =	stream.indirect_vreg.gather [hbm4b:s5+s3], $0x80, v3, vm0, $0xb8;
	[tilespmem:$0x1E400] =	vst v63  }
0x331: {  	v3 =	vld [tilespmem:$0x310];
	_ =	sdelay $0x4  }
0x332: {  	v49 =	vshll.u32 v3, $0x2  }
0x333: {  	v3 =	vand.u32 $0x7, v3;
	v4 =	vand.u32 $0xFFFFFFE0, v49  }
0x334: {  	v3 =	vor.u32 v3, v4  }
0x335: {  	v4 =	vperm.xlane v3, v0;
	_ =	sdelay $0x1  }
0x336: {  	v4 =	vadd.s32 v1, v4;
	_ =	sdelay $0x1  }
0x337: {  	v3 =	vperm.xlane v3, v2;
	_ =	sdelay $0x1  }
0x338: {  	s25 =	simm.s32 $0x8400;
	v3 =	vadd.s32 v1, v3  }
0x339: {  	[tilespmem:s25], [sflag:$0x1] =	stream.indirect_vreg.gather [hbm4b:s2+s3], $0x80, v4, vm0, $0xb8;
	[tilespmem:$0x1E400] =	vst v63  }
0x33a: {  	s25 =	simm.s32 $0x8C00  }
0x33b: {  	[tilespmem:s25], [sflag:$0x1] =	stream.indirect_vreg.gather [hbm4b:s5+s3], $0x80, v4, vm0, $0xb8;
	[tilespmem:$0x1E400] =	vst v63  }
0x33c: {  	s25 =	simm.s32 $0x9400  }
0x33d: {  	[tilespmem:s25], [sflag:$0x1] =	stream.indirect_vreg.gather [hbm4b:s2+s3], $0x80, v3, vm0, $0xb8;
	[tilespmem:$0x1E400] =	vst v63  }
0x33e: {  	s25 =	simm.s32 $0x9C00  }
0x33f: {  	[tilespmem:s25], [sflag:$0x1] =	stream.indirect_vreg.gather [hbm4b:s5+s3], $0x80, v3, vm0, $0xb8;
	[tilespmem:$0x1E400] =	vst v63  }
0x340: {  	_ =	swait.ge [sflag:s10], $0xA000  }
0x341: {  	[sflag:s10] =	ssyncset.done $0x0  }
0x342: {  	s18 =	simm.s32 $0xA400;
	s25 =	rddreg [dreg:$0xb];
	[sflag:s10] =	ssyncadd.s32 $0xFFFF6000  }
0x343: {  	[hbm4b:s25+s3] =	stream.linear.scatter [tilespmem:s18], [sflag:$0x5], $0xA000, $0x38;
	[tilespmem:$0x1E400] =	vst v63  }
0x344: {  	_ =	swait.ge [sflag:s4], $0xA000  }
0x345: {  	[sflag:s4] =	ssyncset.done $0x0  }
0x346: {  	[sflag:s4] =	ssyncadd.s32 $0xFFFF6000  }
0x347: {  	v3 =	vld [tilespmem:$0x320];
	_ =	sdelay $0x4  }
0x348: {  	v50 =	vshll.u32 v3, $0x2  }
0x349: {  	v3 =	vand.u32 $0x7, v3;
	v4 =	vand.u32 $0xFFFFFFE0, v50  }
0x34a: {  	v3 =	vor.u32 v3, v4  }
0x34b: {  	v4 =	vperm.xlane v3, v0;
	_ =	sdelay $0x1  }
0x34c: {  	v4 =	vadd.s32 v1, v4;
	_ =	sdelay $0x1  }
0x34d: {  	v3 =	vperm.xlane v3, v2;
	_ =	sdelay $0x1  }
0x34e: {  	v3 =	vadd.s32 v1, v3  }
0x34f: {  	[tilespmem:s18], [sflag:$0x2] =	stream.indirect_vreg.gather [hbm4b:s2+s3], $0x80, v4, vm0, $0xb8;
	[tilespmem:$0x1E400] =	vst v63  }
0x350: {  	s25 =	simm.s32 $0xAC00  }
0x351: {  	[tilespmem:s25], [sflag:$0x2] =	stream.indirect_vreg.gather [hbm4b:s5+s3], $0x80, v4, vm0, $0xb8;
	[tilespmem:$0x1E400] =	vst v63  }
0x352: {  	s25 =	simm.s32 $0xB400  }
0x353: {  	[tilespmem:s25], [sflag:$0x2] =	stream.indirect_vreg.gather [hbm4b:s2+s3], $0x80, v3, vm0, $0xb8;
	[tilespmem:$0x1E400] =	vst v63  }
0x354: {  	s25 =	simm.s32 $0xBC00  }
0x355: {  	[tilespmem:s25], [sflag:$0x2] =	stream.indirect_vreg.gather [hbm4b:s5+s3], $0x80, v3, vm0, $0xb8;
	[tilespmem:$0x1E400] =	vst v63  }
0x356: {  	v3 =	vld [tilespmem:$0x330];
	_ =	sdelay $0x4  }
0x357: {  	v51 =	vshll.u32 v3, $0x2  }
0x358: {  	v3 =	vand.u32 $0x7, v3;
	v4 =	vand.u32 $0xFFFFFFE0, v51  }
0x359: {  	v3 =	vor.u32 v3, v4  }
0x35a: {  	v4 =	vperm.xlane v3, v0;
	_ =	sdelay $0x1  }
0x35b: {  	v4 =	vadd.s32 v1, v4;
	_ =	sdelay $0x1  }
0x35c: {  	v3 =	vperm.xlane v3, v2;
	_ =	sdelay $0x1  }
0x35d: {  	s25 =	simm.s32 $0xC400;
	v3 =	vadd.s32 v1, v3  }
0x35e: {  	[tilespmem:s25], [sflag:$0x2] =	stream.indirect_vreg.gather [hbm4b:s2+s3], $0x80, v4, vm0, $0xb8;
	[tilespmem:$0x1E400] =	vst v63  }
0x35f: {  	s25 =	simm.s32 $0xCC00  }
0x360: {  	[tilespmem:s25], [sflag:$0x2] =	stream.indirect_vreg.gather [hbm4b:s5+s3], $0x80, v4, vm0, $0xb8;
	[tilespmem:$0x1E400] =	vst v63  }
0x361: {  	s25 =	simm.s32 $0xD400  }
0x362: {  	[tilespmem:s25], [sflag:$0x2] =	stream.indirect_vreg.gather [hbm4b:s2+s3], $0x80, v3, vm0, $0xb8;
	[tilespmem:$0x1E400] =	vst v63  }
0x363: {  	s25 =	simm.s32 $0xDC00  }
0x364: {  	[tilespmem:s25], [sflag:$0x2] =	stream.indirect_vreg.gather [hbm4b:s5+s3], $0x80, v3, vm0, $0xb8;
	[tilespmem:$0x1E400] =	vst v63  }
0x365: {  	v3 =	vld [tilespmem:$0x340];
	_ =	sdelay $0x4  }
0x366: {  	v52 =	vshll.u32 v3, $0x2  }
0x367: {  	v3 =	vand.u32 $0x7, v3;
	v4 =	vand.u32 $0xFFFFFFE0, v52  }
0x368: {  	v3 =	vor.u32 v3, v4  }
0x369: {  	v4 =	vperm.xlane v3, v0;
	_ =	sdelay $0x1  }
0x36a: {  	v4 =	vadd.s32 v1, v4;
	_ =	sdelay $0x1  }
0x36b: {  	v3 =	vperm.xlane v3, v2;
	_ =	sdelay $0x1  }
0x36c: {  	s19 =	simm.s32 $0xE400;
	v3 =	vadd.s32 v1, v3  }
0x36d: {  	[tilespmem:s19], [sflag:$0x2] =	stream.indirect_vreg.gather [hbm4b:s2+s3], $0x80, v4, vm0, $0xb8;
	[tilespmem:$0x1E400] =	vst v63  }
0x36e: {  	s20 =	simm.s32 $0xEC00  }
0x36f: {  	[tilespmem:s20], [sflag:$0x2] =	stream.indirect_vreg.gather [hbm4b:s5+s3], $0x80, v4, vm0, $0xb8;
	[tilespmem:$0x1E400] =	vst v63  }
0x370: {  	s29 =	simm.s32 $0xF400  }
0x371: {  	[tilespmem:s29], [sflag:$0x2] =	stream.indirect_vreg.gather [hbm4b:s2+s3], $0x80, v3, vm0, $0xb8;
	[tilespmem:$0x1E400] =	vst v63  }
0x372: {  	s20 =	simm.s32 $0xFC00  }
0x373: {  	[tilespmem:s20], [sflag:$0x2] =	stream.indirect_vreg.gather [hbm4b:s5+s3], $0x80, v3, vm0, $0xb8;
	[tilespmem:$0x1E400] =	vst v63  }
0x374: {  	v3 =	vld [tilespmem:$0x350];
	_ =	sdelay $0x4  }
0x375: {  	v53 =	vshll.u32 v3, $0x2  }
0x376: {  	v3 =	vand.u32 $0x7, v3;
	v4 =	vand.u32 $0xFFFFFFE0, v53  }
0x377: {  	v3 =	vor.u32 v3, v4  }
0x378: {  	v4 =	vperm.xlane v3, v0;
	_ =	sdelay $0x1  }
0x379: {  	v4 =	vadd.s32 v1, v4;
	_ =	sdelay $0x1  }
0x37a: {  	v3 =	vperm.xlane v3, v2;
	_ =	sdelay $0x1  }
0x37b: {  	s25 =	simm.s32 $0x10400;
	v3 =	vadd.s32 v1, v3  }
0x37c: {  	[tilespmem:s25], [sflag:$0x2] =	stream.indirect_vreg.gather [hbm4b:s2+s3], $0x80, v4, vm0, $0xb8;
	[tilespmem:$0x1E400] =	vst v63  }
0x37d: {  	s29 =	simm.s32 $0x10C00  }
0x37e: {  	[tilespmem:s29], [sflag:$0x2] =	stream.indirect_vreg.gather [hbm4b:s5+s3], $0x80, v4, vm0, $0xb8;
	[tilespmem:$0x1E400] =	vst v63  }
0x37f: {  	s20 =	simm.s32 $0x11400  }
0x380: {  	[tilespmem:s20], [sflag:$0x2] =	stream.indirect_vreg.gather [hbm4b:s2+s3], $0x80, v3, vm0, $0xb8;
	[tilespmem:$0x1E400] =	vst v63  }
0x381: {  	s25 =	simm.s32 $0x11C00  }
0x382: {  	[tilespmem:s25], [sflag:$0x2] =	stream.indirect_vreg.gather [hbm4b:s5+s3], $0x80, v3, vm0, $0xb8;
	[tilespmem:$0x1E400] =	vst v63  }
0x383: {  	v3 =	vld [tilespmem:$0x360];
	_ =	sdelay $0x4  }
0x384: {  	v54 =	vshll.u32 v3, $0x2  }
0x385: {  	v3 =	vand.u32 $0x7, v3;
	v4 =	vand.u32 $0xFFFFFFE0, v54  }
0x386: {  	v3 =	vor.u32 v3, v4  }
0x387: {  	v4 =	vperm.xlane v3, v0;
	_ =	sdelay $0x1  }
0x388: {  	v4 =	vadd.s32 v1, v4;
	_ =	sdelay $0x1  }
0x389: {  	v3 =	vperm.xlane v3, v2;
	_ =	sdelay $0x1  }
0x38a: {  	s29 =	simm.s32 $0x12400;
	v3 =	vadd.s32 v1, v3  }
0x38b: {  	[tilespmem:s29], [sflag:$0x2] =	stream.indirect_vreg.gather [hbm4b:s2+s3], $0x80, v4, vm0, $0xb8;
	[tilespmem:$0x1E400] =	vst v63  }
0x38c: {  	s20 =	simm.s32 $0x12C00  }
0x38d: {  	[tilespmem:s20], [sflag:$0x2] =	stream.indirect_vreg.gather [hbm4b:s5+s3], $0x80, v4, vm0, $0xb8;
	[tilespmem:$0x1E400] =	vst v63  }
0x38e: {  	s25 =	simm.s32 $0x13400  }
0x38f: {  	[tilespmem:s25], [sflag:$0x2] =	stream.indirect_vreg.gather [hbm4b:s2+s3], $0x80, v3, vm0, $0xb8;
	[tilespmem:$0x1E400] =	vst v63  }
0x390: {  	s29 =	simm.s32 $0x13C00  }
0x391: {  	[tilespmem:s29], [sflag:$0x2] =	stream.indirect_vreg.gather [hbm4b:s5+s3], $0x80, v3, vm0, $0xb8;
	[tilespmem:$0x1E400] =	vst v63  }
0x392: {  	_ =	swait.ge [sflag:s7], $0xA000  }
0x393: {  	[sflag:s7] =	ssyncset.done $0x0  }
0x394: {  	s16 =	simm.s32 $0x14400;
	s20 =	rddreg [dreg:$0xc];
	[sflag:s7] =	ssyncadd.s32 $0xFFFF6000  }
0x395: {  	[hbm4b:s20+s3] =	stream.linear.scatter [tilespmem:s16], [sflag:$0x6], $0xA000, $0x38;
	[tilespmem:$0x1E400] =	vst v63  }
0x396: {  	_ =	swait.ge [sflag:s24], $0xA000  }
0x397: {  	[sflag:s24] =	ssyncset.done $0x0  }
0x398: {  	[sflag:s24] =	ssyncadd.s32 $0xFFFF6000  }
0x399: {  	v3 =	vld [tilespmem:$0x370];
	_ =	sdelay $0x4  }
0x39a: {  	v55 =	vshll.u32 v3, $0x2  }
0x39b: {  	v3 =	vand.u32 $0x7, v3;
	v4 =	vand.u32 $0xFFFFFFE0, v55  }
0x39c: {  	v3 =	vor.u32 v3, v4  }
0x39d: {  	v4 =	vperm.xlane v3, v0;
	_ =	sdelay $0x1  }
0x39e: {  	v4 =	vadd.s32 v1, v4;
	_ =	sdelay $0x1  }
0x39f: {  	v3 =	vperm.xlane v3, v2;
	_ =	sdelay $0x1  }
0x3a0: {  	v3 =	vadd.s32 v1, v3  }
0x3a1: {  	[tilespmem:s16], [sflag:$0x3] =	stream.indirect_vreg.gather [hbm4b:s2+s3], $0x80, v4, vm0, $0xb8;
	[tilespmem:$0x1E400] =	vst v63  }
0x3a2: {  	s23 =	simm.s32 $0x14C00  }
0x3a3: {  	[tilespmem:s23], [sflag:$0x3] =	stream.indirect_vreg.gather [hbm4b:s5+s3], $0x80, v4, vm0, $0xb8;
	[tilespmem:$0x1E400] =	vst v63  }
0x3a4: {  	s29 =	simm.s32 $0x15400  }
0x3a5: {  	[tilespmem:s29], [sflag:$0x3] =	stream.indirect_vreg.gather [hbm4b:s2+s3], $0x80, v3, vm0, $0xb8;
	[tilespmem:$0x1E400] =	vst v63  }
0x3a6: {  	s20 =	simm.s32 $0x15C00  }
0x3a7: {  	[tilespmem:s20], [sflag:$0x3] =	stream.indirect_vreg.gather [hbm4b:s5+s3], $0x80, v3, vm0, $0xb8;
	[tilespmem:$0x1E400] =	vst v63  }
0x3a8: {  	v3 =	vld [tilespmem:$0x380];
	_ =	sdelay $0x4  }
0x3a9: {  	v56 =	vshll.u32 v3, $0x2  }
0x3aa: {  	v3 =	vand.u32 $0x7, v3;
	v4 =	vand.u32 $0xFFFFFFE0, v56  }
0x3ab: {  	v3 =	vor.u32 v3, v4  }
0x3ac: {  	v4 =	vperm.xlane v3, v0;
	_ =	sdelay $0x1  }
0x3ad: {  	v4 =	vadd.s32 v1, v4;
	_ =	sdelay $0x1  }
0x3ae: {  	v3 =	vperm.xlane v3, v2;
	_ =	sdelay $0x1  }
0x3af: {  	s21 =	simm.s32 $0x16400;
	v3 =	vadd.s32 v1, v3  }
0x3b0: {  	[tilespmem:s21], [sflag:$0x3] =	stream.indirect_vreg.gather [hbm4b:s2+s3], $0x80, v4, vm0, $0xb8;
	[tilespmem:$0x1E400] =	vst v63  }
0x3b1: {  	s22 =	simm.s32 $0x16C00  }
0x3b2: {  	[tilespmem:s22], [sflag:$0x3] =	stream.indirect_vreg.gather [hbm4b:s5+s3], $0x80, v4, vm0, $0xb8;
	[tilespmem:$0x1E400] =	vst v63  }
0x3b3: {  	s23 =	simm.s32 $0x17400  }
0x3b4: {  	[tilespmem:s23], [sflag:$0x3] =	stream.indirect_vreg.gather [hbm4b:s2+s3], $0x80, v3, vm0, $0xb8;
	[tilespmem:$0x1E400] =	vst v63  }
0x3b5: {  	s25 =	simm.s32 $0x17C00  }
0x3b6: {  	[tilespmem:s25], [sflag:$0x3] =	stream.indirect_vreg.gather [hbm4b:s5+s3], $0x80, v3, vm0, $0xb8;
	[tilespmem:$0x1E400] =	vst v63  }
0x3b7: {  	v3 =	vld [tilespmem:$0x390];
	_ =	sdelay $0x4  }
0x3b8: {  	v57 =	vshll.u32 v3, $0x2  }
0x3b9: {  	v3 =	vand.u32 $0x7, v3;
	v4 =	vand.u32 $0xFFFFFFE0, v57  }
0x3ba: {  	v3 =	vor.u32 v3, v4  }
0x3bb: {  	v4 =	vperm.xlane v3, v0;
	_ =	sdelay $0x1  }
0x3bc: {  	v4 =	vadd.s32 v1, v4;
	_ =	sdelay $0x1  }
0x3bd: {  	v3 =	vperm.xlane v3, v2;
	_ =	sdelay $0x1  }
0x3be: {  	s9 =	simm.s32 $0x18400;
	v3 =	vadd.s32 v1, v3  }
0x3bf: {  	[tilespmem:s9], [sflag:$0x3] =	stream.indirect_vreg.gather [hbm4b:s2+s3], $0x80, v4, vm0, $0xb8;
	[tilespmem:$0x1E400] =	vst v63  }
0x3c0: {  	s26 =	simm.s32 $0x18C00  }
0x3c1: {  	[tilespmem:s26], [sflag:$0x3] =	stream.indirect_vreg.gather [hbm4b:s5+s3], $0x80, v4, vm0, $0xb8;
	[tilespmem:$0x1E400] =	vst v63  }
0x3c2: {  	s28 =	simm.s32 $0x19400  }
0x3c3: {  	[tilespmem:s28], [sflag:$0x3] =	stream.indirect_vreg.gather [hbm4b:s2+s3], $0x80, v3, vm0, $0xb8;
	[tilespmem:$0x1E400] =	vst v63  }
0x3c4: {  	_ = 	snop  }
0x3c5: {  	[tilespmem:s8], [sflag:$0x3] =	stream.indirect_vreg.gather [hbm4b:s5+s3], $0x80, v3, vm0, $0xb8;
	[tilespmem:$0x1E400] =	vst v63  }
0x3c6: {  	v3 =	vld [tilespmem:$0x3A0];
	_ =	sdelay $0x4  }
0x3c7: {  	v58 =	vshll.u32 v3, $0x2  }
0x3c8: {  	v3 =	vand.u32 $0x7, v3;
	v4 =	vand.u32 $0xFFFFFFE0, v58  }
0x3c9: {  	v3 =	vor.u32 v3, v4  }
0x3ca: {  	v4 =	vperm.xlane v3, v0;
	_ =	sdelay $0x1  }
0x3cb: {  	v4 =	vadd.s32 v1, v4;
	_ =	sdelay $0x1  }
0x3cc: {  	v3 =	vperm.xlane v3, v2;
	_ =	sdelay $0x1  }
0x3cd: {  	s30 =	simm.s32 $0x1A400;
	v3 =	vadd.s32 v1, v3  }
0x3ce: {  	[tilespmem:s30], [sflag:$0x3] =	stream.indirect_vreg.gather [hbm4b:s2+s3], $0x80, v4, vm0, $0xb8;
	[tilespmem:$0x1E400] =	vst v63  }
0x3cf: {  	s11 =	simm.s32 $0x1AC00  }
0x3d0: {  	[tilespmem:s11], [sflag:$0x3] =	stream.indirect_vreg.gather [hbm4b:s5+s3], $0x80, v4, vm0, $0xb8;
	[tilespmem:$0x1E400] =	vst v63  }
0x3d1: {  	s12 =	simm.s32 $0x1B400  }
0x3d2: {  	[tilespmem:s12], [sflag:$0x3] =	stream.indirect_vreg.gather [hbm4b:s2+s3], $0x80, v3, vm0, $0xb8;
	[tilespmem:$0x1E400] =	vst v63  }
0x3d3: {  	s28 =	simm.s32 $0x1BC00  }
0x3d4: {  	[tilespmem:s28], [sflag:$0x3] =	stream.indirect_vreg.gather [hbm4b:s5+s3], $0x80, v3, vm0, $0xb8;
	[tilespmem:$0x1E400] =	vst v63  }
0x3d5: {  	v3 =	vld [tilespmem:$0x3B0];
	_ =	sdelay $0x4  }
0x3d6: {  	v59 =	vshll.u32 v3, $0x2  }
0x3d7: {  	v3 =	vand.u32 $0x7, v3;
	v4 =	vand.u32 $0xFFFFFFE0, v59  }
0x3d8: {  	v3 =	vor.u32 v3, v4  }
0x3d9: {  	v4 =	vperm.xlane v3, v0;
	_ =	sdelay $0x1  }
0x3da: {  	v4 =	vadd.s32 v1, v4;
	_ =	sdelay $0x1  }
0x3db: {  	v3 =	vperm.xlane v3, v2;
	_ =	sdelay $0x1  }
0x3dc: {  	s13 =	simm.s32 $0x1C400;
	v3 =	vadd.s32 v1, v3  }
0x3dd: {  	[tilespmem:s13], [sflag:$0x3] =	stream.indirect_vreg.gather [hbm4b:s2+s3], $0x80, v4, vm0, $0xb8;
	[tilespmem:$0x1E400] =	vst v63  }
0x3de: {  	s14 =	simm.s32 $0x1CC00  }
0x3df: {  	[tilespmem:s14], [sflag:$0x3] =	stream.indirect_vreg.gather [hbm4b:s5+s3], $0x80, v4, vm0, $0xb8;
	[tilespmem:$0x1E400] =	vst v63  }
0x3e0: {  	s15 =	simm.s32 $0x1D400  }
0x3e1: {  	[tilespmem:s15], [sflag:$0x3] =	stream.indirect_vreg.gather [hbm4b:s2+s3], $0x80, v3, vm0, $0xb8;
	[tilespmem:$0x1E400] =	vst v63  }
0x3e2: {  	s17 =	simm.s32 $0x1DC00  }
0x3e3: {  	[tilespmem:s17], [sflag:$0x3] =	stream.indirect_vreg.gather [hbm4b:s5+s3], $0x80, v3, vm0, $0xb8;
	[tilespmem:$0x1E400] =	vst v63  }
0x3e4: {  	_ =	swait.ge [sflag:s31], $0xA000  }
0x3e5: {  	[sflag:s31] =	ssyncset.done $0x0  }
0x3e6: {  	s1 =	simm.s32 $0x400;
	s29 =	rddreg [dreg:$0xd];
	[sflag:s31] =	ssyncadd.s32 $0xFFFF6000  }
0x3e7: {  	[hbm4b:s29+s3] =	stream.linear.scatter [tilespmem:s1], [sflag:$0x4], $0xA000, $0x38;
	[tilespmem:$0x1E400] =	vst v63  }
0x3e8: {  	_ =	swait.ge [sflag:s0], $0xA000  }
0x3e9: {  	[sflag:s0] =	ssyncset.done $0x0  }
0x3ea: {  	[sflag:s0] =	ssyncadd.s32 $0xFFFF6000  }
0x3eb: {  	v3 =	vld [tilespmem:$0x3C0];
	_ =	sdelay $0x4  }
0x3ec: {  	v60 =	vshll.u32 v3, $0x2  }
0x3ed: {  	v3 =	vand.u32 $0x7, v3;
	v4 =	vand.u32 $0xFFFFFFE0, v60  }
0x3ee: {  	v3 =	vor.u32 v3, v4  }
0x3ef: {  	v4 =	vperm.xlane v3, v0;
	_ =	sdelay $0x1  }
0x3f0: {  	v4 =	vadd.s32 v1, v4;
	_ =	sdelay $0x1  }
0x3f1: {  	v3 =	vperm.xlane v3, v2;
	_ =	sdelay $0x1  }
0x3f2: {  	v3 =	vadd.s32 v1, v3  }
0x3f3: {  	[tilespmem:s1], [sflag:$0x1] =	stream.indirect_vreg.gather [hbm4b:s2+s3], $0x80, v4, vm0, $0xb8;
	[tilespmem:$0x1E400] =	vst v63  }
0x3f4: {  	s30 =	simm.s32 $0xC00  }
0x3f5: {  	[tilespmem:s30], [sflag:$0x1] =	stream.indirect_vreg.gather [hbm4b:s5+s3], $0x80, v4, vm0, $0xb8;
	[tilespmem:$0x1E400] =	vst v63  }
0x3f6: {  	s9 =	simm.s32 $0x1400  }
0x3f7: {  	[tilespmem:s9], [sflag:$0x1] =	stream.indirect_vreg.gather [hbm4b:s2+s3], $0x80, v3, vm0, $0xb8;
	[tilespmem:$0x1E400] =	vst v63  }
0x3f8: {  	s11 =	simm.s32 $0x1C00  }
0x3f9: {  	[tilespmem:s11], [sflag:$0x1] =	stream.indirect_vreg.gather [hbm4b:s5+s3], $0x80, v3, vm0, $0xb8;
	[tilespmem:$0x1E400] =	vst v63  }
0x3fa: {  	v3 =	vld [tilespmem:$0x3D0];
	_ =	sdelay $0x4  }
0x3fb: {  	v61 =	vshll.u32 v3, $0x2  }
0x3fc: {  	v3 =	vand.u32 $0x7, v3;
	v4 =	vand.u32 $0xFFFFFFE0, v61  }
0x3fd: {  	v3 =	vor.u32 v3, v4  }
0x3fe: {  	v4 =	vperm.xlane v3, v0;
	_ =	sdelay $0x1  }
0x3ff: {  	v4 =	vadd.s32 v1, v4;
	_ =	sdelay $0x1  }
0x400: {  	v3 =	vperm.xlane v3, v2;
	_ =	sdelay $0x1  }
0x401: {  	s12 =	simm.s32 $0x2400;
	v3 =	vadd.s32 v1, v3  }
0x402: {  	[tilespmem:s12], [sflag:$0x1] =	stream.indirect_vreg.gather [hbm4b:s2+s3], $0x80, v4, vm0, $0xb8;
	[tilespmem:$0x1E400] =	vst v63  }
0x403: {  	s13 =	simm.s32 $0x2C00  }
0x404: {  	[tilespmem:s13], [sflag:$0x1] =	stream.indirect_vreg.gather [hbm4b:s5+s3], $0x80, v4, vm0, $0xb8;
	[tilespmem:$0x1E400] =	vst v63  }
0x405: {  	s14 =	simm.s32 $0x3400  }
0x406: {  	[tilespmem:s14], [sflag:$0x1] =	stream.indirect_vreg.gather [hbm4b:s2+s3], $0x80, v3, vm0, $0xb8;
	[tilespmem:$0x1E400] =	vst v63  }
0x407: {  	s15 =	simm.s32 $0x3C00  }
0x408: {  	[tilespmem:s15], [sflag:$0x1] =	stream.indirect_vreg.gather [hbm4b:s5+s3], $0x80, v3, vm0, $0xb8;
	[tilespmem:$0x1E400] =	vst v63  }
0x409: {  	v3 =	vld [tilespmem:$0x3E0];
	_ =	sdelay $0x4  }
0x40a: {  	v62 =	vshll.u32 v3, $0x2  }
0x40b: {  	v3 =	vand.u32 $0x7, v3;
	v4 =	vand.u32 $0xFFFFFFE0, v62  }
0x40c: {  	v3 =	vor.u32 v3, v4  }
0x40d: {  	v4 =	vperm.xlane v3, v0;
	_ =	sdelay $0x1  }
0x40e: {  	v4 =	vadd.s32 v1, v4;
	_ =	sdelay $0x1  }
0x40f: {  	v3 =	vperm.xlane v3, v2;
	_ =	sdelay $0x1  }
0x410: {  	s17 =	simm.s32 $0x4400;
	v3 =	vadd.s32 v1, v3  }
0x411: {  	[tilespmem:s17], [sflag:$0x1] =	stream.indirect_vreg.gather [hbm4b:s2+s3], $0x80, v4, vm0, $0xb8;
	[tilespmem:$0x1E400] =	vst v63  }
0x412: {  	s19 =	simm.s32 $0x4C00  }
0x413: {  	[tilespmem:s19], [sflag:$0x1] =	stream.indirect_vreg.gather [hbm4b:s5+s3], $0x80, v4, vm0, $0xb8;
	[tilespmem:$0x1E400] =	vst v63  }
0x414: {  	s20 =	simm.s32 $0x5400  }
0x415: {  	[tilespmem:s20], [sflag:$0x1] =	stream.indirect_vreg.gather [hbm4b:s2+s3], $0x80, v3, vm0, $0xb8;
	[tilespmem:$0x1E400] =	vst v63  }
0x416: {  	s21 =	simm.s32 $0x5C00  }
0x417: {  	[tilespmem:s21], [sflag:$0x1] =	stream.indirect_vreg.gather [hbm4b:s5+s3], $0x80, v3, vm0, $0xb8;
	[tilespmem:$0x1E400] =	vst v63  }
0x418: {  	v3 =	vld [tilespmem:$0x3F0];
	_ =	sdelay $0x4  }
0x419: {  	v63 =	vshll.u32 v3, $0x2  }
0x41a: {  	v3 =	vand.u32 $0x7, v3;
	v4 =	vand.u32 $0xFFFFFFE0, v63  }
0x41b: {  	v3 =	vor.u32 v3, v4  }
0x41c: {  	v4 =	vperm.xlane v3, v0;
	_ =	sdelay $0x1  }
0x41d: {  	v4 =	vadd.s32 v1, v4;
	_ =	sdelay $0x1  }
0x41e: {  	v3 =	vperm.xlane v3, v2;
	_ =	sdelay $0x1  }
0x41f: {  	s22 =	simm.s32 $0x6400;
	v3 =	vadd.s32 v1, v3  }
0x420: {  	[tilespmem:s22], [sflag:$0x1] =	stream.indirect_vreg.gather [hbm4b:s2+s3], $0x80, v4, vm0, $0xb8;
	[tilespmem:$0x1E400] =	vst v63  }
0x421: {  	s23 =	simm.s32 $0x6C00  }
0x422: {  	[tilespmem:s23], [sflag:$0x1] =	stream.indirect_vreg.gather [hbm4b:s5+s3], $0x80, v4, vm0, $0xb8;
	[tilespmem:$0x1E400] =	vst v63  }
0x423: {  	s25 =	simm.s32 $0x7400  }
0x424: {  	[tilespmem:s25], [sflag:$0x1] =	stream.indirect_vreg.gather [hbm4b:s2+s3], $0x80, v3, vm0, $0xb8;
	[tilespmem:$0x1E400] =	vst v63  }
0x425: {  	s26 =	simm.s32 $0x7C00  }
0x426: {  	[tilespmem:s26], [sflag:$0x1] =	stream.indirect_vreg.gather [hbm4b:s5+s3], $0x80, v3, vm0, $0xb8;
	[tilespmem:$0x1E400] =	vst v63  }
0x427: {  	_ =	swait.ge [sflag:s10], $0xA000  }
0x428: {  	[sflag:s10] =	ssyncset.done $0x0  }
0x429: {  	s28 =	rddreg [dreg:$0xe];
	[sflag:s10] =	ssyncadd.s32 $0xFFFF6000  }
0x42a: {  	[hbm4b:s28+s3] =	stream.linear.scatter [tilespmem:s18], [sflag:$0x5], $0xA000, $0x38;
	[tilespmem:$0x1E400] =	vst v63  }
0x42b: {  	_ =	swait.ge [sflag:s4], $0xA000  }
0x42c: {  	[sflag:s4] =	ssyncset.done $0x0  }
0x42d: {  	[sflag:s4] =	ssyncadd.s32 $0xFFFF6000  }
0x42e: {  	_ =	swait.ge [sflag:s7], $0xA000  }
0x42f: {  	[sflag:s7] =	ssyncset.done $0x0  }
0x430: {  	s29 =	rddreg [dreg:$0xf];
	[sflag:s7] =	ssyncadd.s32 $0xFFFF6000  }
0x431: {  	[hbm4b:s29+s3] =	stream.linear.scatter [tilespmem:s16], [sflag:$0x6], $0xA000, $0x38;
	[tilespmem:$0x1E400] =	vst v63  }
0x432: {  	_ =	swait.ge [sflag:s24], $0xA000  }
0x433: {  	[sflag:s24] =	ssyncset.done $0x0  }
0x434: {  	[sflag:s24] =	ssyncadd.s32 $0xFFFF6000  }
0x435: {  	_ =	swait.ge [sflag:s31], $0x8000  }
0x436: {  	p0 =	sne.s32 s6, $0x1;
	[sflag:s31] =	ssyncset.done $0x0  }
.Ltmp0:
0x437: {  	s30 =	rddreg [dreg:$0x10];
	[sflag:s31] =	ssyncadd.s32 $0xFFFF8000;
	(pc) =	sbr.rel @p0 .LBB2_1-.Ltmp0, $4  }
0x438: {  	[hbm4b:s30+s3] =	stream.linear.scatter [tilespmem:s1], [sflag:$0x4], $0x8000, $0x38;
	[tilespmem:$0x1E400] =	vst v63  }
0x439: {  	_ =	swait.ge [sflag:s0], $0x8000  }
0x43a: {  	[sflag:s0] =	ssyncset.done $0x0  }
0x43b: {  	s6 =	sadd.s32 $0xFFFFFFFF, s6;
	[sflag:s0] =	ssyncadd.s32 $0xFFFF8000  }
0x43c: {  	_ =	sfence.sel $0x180000  }
0x43d: {  	[bflag:$0x0] =	sbarrier.arrive $0xFFFF  }
0x43e: {  	_ =	strace $0x90000047  }
0x43f: {  	s0 =	stileid.u32;
	[bflag:$0x2] =	sbarrier.arrive $0xFFFF  }
0x440: {  	p0 =	sne.s32 s0, $0x0;
	s0 =	rddreg [dreg:$0x3]  }
0x441: {  	s0 =	sadd.s32 @!p0 $0x100000, s0  }
0x442: {  	[sflag:s0] =	ssyncadd.tile.s32 @!p0 $0x1;
	_ =	shalt  }
.Lfunc_end2:
_tile_overlayer_lowered:
.L_overlay_start_2:
0x443: {  	(tag) =	ssettag $0x2  }
0x444: {  	s0 =	rddreg [dreg:$0x0];
	s2 =	stileid.u32  }
0x445: {  	s1 =	rddreg [dreg:$0x1];
	p0 =	sne.s32 s2, $0x0  }
0x446: {  	s3 =	rddreg [dreg:$0x2];
	[bflag:$0x3] =	sbarrier.arrive $0xFFFF;
	s2 =	simm.s32 @!p0 $0x1C07  }
0x447: {  	[timem:s3], [sflag:s2] =	dma.local @!p0 [hbm:s0], s1  }
0x448: {  	s0 =	simm.s32 @!p0 $0x7  }
0x449: {  	_ =	swait.ge @!p0 [sflag:s0], s1  }
0x44a: {  	s1 =	ssub.s32 @!p0 $0x0, s1;
	[sflag:s0] =	ssyncset.done @!p0 $0x0  }
0x44b: {  	[sflag:s0] =	ssyncadd.s32 @!p0 s1  }
0x44c: {  	[bflag:$0x3] =	sbarrier.arrive $0xFFFF  }
0x44d: {  	_ =	shalt  }

</sc_bundles>
